<compile_context>
chip_gen: v7x
topology: tpu7x:2x2x1
jax: 0.10.2.dev20260603
libtpu: 0.0.44.dev20260713+nightly
codegen_flags: <defaults>
</compile_context>

<pallas_src>
import functools

import jax
import jax.numpy as jnp
from jax import lax
from jax.experimental import pallas as pl
from jax.experimental.pallas import tpu as pltpu
from jax.experimental.pallas import tpu_sc as plsc

N_NODES = 10000
N_EDGES = 320000
D = 128
DH = D // 2

NS = 16
EPS = N_EDGES // NS
C = 125
CHUNKS = EPS // C
NBUF = 5
ZR = 80
RPT = 640
RPT_LAST = N_NODES - 15 * RPT


def _make_sc_pass(with_deg: bool):
    mesh = plsc.VectorSubcoreMesh(core_axis_name="c", subcore_axis_name="s")
    outs = [jax.ShapeDtypeStruct((N_NODES, D), jnp.float32)]
    if with_deg:
        outs.append(jax.ShapeDtypeStruct((2, N_NODES), jnp.float32))
    scratch = [
        pltpu.VMEM((CHUNKS, C), jnp.int32),
        pltpu.VMEM((CHUNKS, C), jnp.int32),
        [pltpu.VMEM((C, DH), jnp.float32)] * NBUF,
        [pltpu.SemaphoreType.DMA] * NBUF,
        [pltpu.SemaphoreType.DMA] * NBUF,
        pltpu.SemaphoreType.DMA,
        pltpu.SemaphoreType.DMA,
        pltpu.VMEM((ZR, DH), jnp.float32),
        pltpu.VMEM_SHARED((N_NODES, DH), jnp.float32),
    ]
    if with_deg:
        scratch += [
            pltpu.VMEM((2000,), jnp.float32),
            pltpu.VMEM((128,), jnp.float32),
            pltpu.SemaphoreType.DMA,
            pltpu.VMEM_SHARED((N_NODES,), jnp.float32),
        ]

    out_type = tuple(outs) if with_deg else outs[0]

    @functools.partial(pl.kernel, out_type=out_type, mesh=mesh,
                       scratch_types=scratch,
                       compiler_params=pltpu.CompilerParams(
                           use_tc_tiling_on_sc=False))
    def sc_pass(h_hbm, src_hbm, dst_hbm, pagg_hbm, *rest):
        if with_deg:
            (pdeg_hbm, src_l, dst_l, bufs, gsems, ssems, isem, zsem, zbuf,
             agg_sh, zdeg, ones_v, dsem, deg_sh) = rest
        else:
            src_l, dst_l, bufs, gsems, ssems, isem, zsem, zbuf, agg_sh = rest
        c = lax.axis_index("c")
        s = lax.axis_index("s")

        pltpu.async_copy(src_hbm.at[c, s], src_l, isem)
        pltpu.async_copy(dst_hbm.at[s], dst_l, isem)

        zero16 = jnp.zeros((16,), jnp.float32)

        @pl.loop(0, ZR)
        def _(i):
            @pl.loop(0, DH // 16)
            def _(j):
                zbuf[i, pl.ds(j * 16, 16)] = zero16

        @pl.when(s < 15)
        def _():
            @pl.loop(0, RPT // ZR)
            def _(t):
                pltpu.async_copy(zbuf, agg_sh.at[pl.ds(s * RPT + t * ZR, ZR)],
                                 zsem)

        @pl.when(s == 15)
        def _():
            @pl.loop(0, RPT_LAST // ZR)
            def _(t):
                pltpu.async_copy(zbuf,
                                 agg_sh.at[pl.ds(15 * RPT + t * ZR, ZR)], zsem)

        if with_deg:
            @pl.loop(0, 2000 // 16)
            def _(i):
                zdeg[pl.ds(i * 16, 16)] = zero16

            @pl.loop(0, 128 // 16)
            def _(i):
                ones_v[pl.ds(i * 16, 16)] = jnp.ones((16,), jnp.float32)

            @pl.when(s == 0)
            def _():
                @pl.loop(0, N_NODES // 2000)
                def _(t):
                    pltpu.async_copy(zdeg, deg_sh.at[pl.ds(t * 2000, 2000)],
                                     zsem)

        pltpu.make_async_copy(src_hbm.at[c, s], src_l, isem).wait()
        pltpu.make_async_copy(dst_hbm.at[s], dst_l, isem).wait()

        @pl.when(s < 15)
        def _():
            @pl.loop(0, RPT // ZR)
            def _(t):
                pltpu.make_async_copy(
                    zbuf, agg_sh.at[pl.ds(s * RPT + t * ZR, ZR)], zsem).wait()

        @pl.when(s == 15)
        def _():
            @pl.loop(0, RPT_LAST // ZR)
            def _(t):
                pltpu.make_async_copy(
                    zbuf, agg_sh.at[pl.ds(15 * RPT + t * ZR, ZR)],
                    zsem).wait()

        if with_deg:
            @pl.when(s == 0)
            def _():
                @pl.loop(0, N_NODES // 2000)
                def _(t):
                    pltpu.make_async_copy(
                        zdeg, deg_sh.at[pl.ds(t * 2000, 2000)], zsem).wait()

        plsc.subcore_barrier()

        def gather_src(k):
            return h_hbm.at[src_l.at[k]]

        for i in range(NBUF):
            pltpu.async_copy(gather_src(i), bufs[i], gsems[i])

        @pl.loop(0, CHUNKS, step=NBUF)
        def _(k):
            for i in range(NBUF):
                kk = k + i
                pltpu.make_async_copy(gather_src(kk), bufs[i],
                                      gsems[i]).wait()
                pltpu.async_copy(bufs[i], agg_sh.at[dst_l.at[kk]], ssems[i],
                                 add=True)
                if with_deg:
                    @pl.when((kk < CHUNKS // 2) == (c == 0))
                    def _():
                        pltpu.async_copy(ones_v.at[pl.ds(0, C)],
                                         deg_sh.at[dst_l.at[kk]], dsem,
                                         add=True)
            for i in range(NBUF):
                kk = k + i
                pltpu.make_async_copy(bufs[i], agg_sh.at[dst_l.at[kk]],
                                      ssems[i]).wait()

                @pl.when(kk + NBUF < CHUNKS)
                def _():
                    pltpu.async_copy(gather_src(kk + NBUF), bufs[i], gsems[i])

        if with_deg:
            @pl.loop(0, CHUNKS // 2)
            def _(k):
                pltpu.make_async_copy(ones_v.at[pl.ds(0, C)],
                                      deg_sh.at[dst_l.at[0]], dsem).wait()

        plsc.subcore_barrier()

        col0 = c * DH

        @pl.when(s < 15)
        def _():
            pltpu.sync_copy(agg_sh.at[pl.ds(s * RPT, RPT)],
                            pagg_hbm.at[pl.ds(s * RPT, RPT),
                                        pl.ds(col0, DH)])

        @pl.when(s == 15)
        def _():
            pltpu.sync_copy(agg_sh.at[pl.ds(15 * RPT, RPT_LAST)],
                            pagg_hbm.at[pl.ds(15 * RPT, RPT_LAST),
                                        pl.ds(col0, DH)])

        if with_deg:
            @pl.when(s == 0)
            def _():
                pltpu.sync_copy(deg_sh, pdeg_hbm.at[c])

    return sc_pass


_sc_pass_deg = _make_sc_pass(True)
_sc_pass = _make_sc_pass(False)

BLK = 5000


def _tc_self_body(x_ref, w_ref, b_ref, o_ref):
    o_ref[...] = jnp.dot(x_ref[...], w_ref[...],
                         preferred_element_type=jnp.float32) + b_ref[...]


def _tc_self(h, w, b):
    return pl.pallas_call(
        _tc_self_body,
        grid=(N_NODES // BLK,),
        in_specs=[
            pl.BlockSpec((BLK, D), lambda i: (i, 0)),
            pl.BlockSpec((D, D), lambda i: (0, 0)),
            pl.BlockSpec((1, D), lambda i: (0, 0)),
        ],
        out_specs=pl.BlockSpec((BLK, D), lambda i: (i, 0)),
        out_shape=jax.ShapeDtypeStruct((N_NODES, D), jnp.float32),
    )(h, w[:D], b)


def _tc_combine_body(relu, self_ref, pagg_ref, pdeg_ref, w_ref, o_ref):
    deg = jnp.maximum(jnp.sum(pdeg_ref[...], axis=1), 1.0)
    agg = pagg_ref[...] * (1.0 / deg)[:, None]
    acc = self_ref[...] + jnp.dot(agg, w_ref[...],
                                  preferred_element_type=jnp.float32)
    if relu:
        acc = jnp.maximum(acc, 0.0)
    o_ref[...] = acc


def _tc_combine(relu, self_, pagg, pdeg, w):
    return pl.pallas_call(
        functools.partial(_tc_combine_body, relu),
        grid=(N_NODES // BLK,),
        in_specs=[
            pl.BlockSpec((BLK, D), lambda i: (i, 0)),
            pl.BlockSpec((BLK, D), lambda i: (i, 0)),
            pl.BlockSpec((BLK, 2), lambda i: (i, 0)),
            pl.BlockSpec((D, D), lambda i: (0, 0)),
        ],
        out_specs=pl.BlockSpec((BLK, D), lambda i: (i, 0)),
        out_shape=jax.ShapeDtypeStruct((N_NODES, D), jnp.float32),
    )(self_, pagg, pdeg, w[D:])


def kernel(x, edge_index, W1, b1, W2, b2):
    src = edge_index[0]
    src01 = jnp.stack([2 * src, 2 * src + 1]).reshape(2, NS, CHUNKS, C)
    dst3 = edge_index[1].reshape(NS, CHUNKS, C)
    self1 = _tc_self(x, W1, b1.reshape(1, D))
    pagg1, pdeg = _sc_pass_deg(x.reshape(2 * N_NODES, DH), src01, dst3)
    pdeg2d = pdeg.T
    h1 = _tc_combine(True, self1, pagg1, pdeg2d, W1)
    self2 = _tc_self(h1, W2, b2.reshape(1, D))
    pagg2 = _sc_pass(h1.reshape(2 * N_NODES, DH), src01, dst3)
    h2 = _tc_combine(False, self2, pagg2, pdeg2d, W2)
    return h2

# --- scband reference (transcript-rebuilt; emitter-appended) ---
"""Pipeline reference for scband-text-sage-38912403702073 (READ-ONLY COPY).

The authoritative reference and input builder live on the scoring server;
editing this copy changes nothing except your own understanding.
"""

import jax, jax.numpy as jnp
import numpy as np

N_NODES = 10000
N_EDGES = 320000
D = 128
NUM_LAYERS = 2


def setup_inputs(seed: int = 0) -> dict:
    key = jax.random.key(seed)
    k1, k2, k3, k4 = jax.random.split(key, 4)
    x = jax.random.normal(k1, (N_NODES, D), dtype=jnp.float32)
    edge_index = jax.random.randint(k2, (2, N_EDGES), 0, N_NODES, dtype=jnp.int32)
    scale = 1.0 / np.sqrt(2 * D)
    W1 = jax.random.uniform(k3, (2 * D, D), minval=-scale, maxval=scale, dtype=jnp.float32)
    b1 = jnp.zeros((D,), dtype=jnp.float32)
    W2 = jax.random.uniform(k4, (2 * D, D), minval=-scale, maxval=scale, dtype=jnp.float32)
    b2 = jnp.zeros((D,), dtype=jnp.float32)
    return {"x": x, "edge_index": edge_index, "W1": W1, "b1": b1, "W2": W2, "b2": b2}


def reference(x, edge_index, W1, b1, W2, b2):
    # SAGE-style message passing as in TextSAGE.forward:
    # per layer: mean-aggregate neighbor features (scatter/segment reduce),
    # concat with self features, linear transform, ReLU between layers.
    src = edge_index[0]
    dst = edge_index[1]
    ones = jnp.ones((src.shape[0],), dtype=jnp.float32)
    deg = jax.ops.segment_sum(ones, dst, num_segments=N_NODES)
    deg = jnp.clip(deg, 1.0)[:, None]
    params = [(W1, b1), (W2, b2)]
    h = x
    for i, (W, b) in enumerate(params):
        msgs = h[src]                                   # gather (edge-wise)
        agg = jax.ops.segment_sum(msgs, dst, num_segments=N_NODES) / deg  # scatter-add mean
        h = jnp.concatenate([h, agg], axis=1) @ W + b
        if i < len(params) - 1:
            h = jax.nn.relu(h)
    return h

if __name__ == "__main__":
    import jax
    _d = setup_inputs()
    print(jax.jit(kernel)(*tuple(_d.values())))

</pallas_src>

<mosaic_0001>
#map = affine_map<(d0, d1) -> (0, 0)>
#map1 = affine_map<(d0, d1) -> (0, 0, 0, 0)>
#map2 = affine_map<(d0, d1) -> (0, 0, 0)>
module attributes {stable_mosaic.version = 14 : i64} {
  func.func @sc_pass(%arg0: i32, %arg1: i32, %arg2: memref<20000x64xf32, #tpu.memory_space<hbm>>, %arg3: memref<2x16x160x125xi32, #tpu.memory_space<hbm>>, %arg4: memref<16x160x125xi32, #tpu.memory_space<hbm>>, %arg5: memref<10000x128xf32, #tpu.memory_space<hbm>>, %arg6: memref<2x10000xf32, #tpu.memory_space<hbm>>, %arg7: memref<160x125xi32, #tpu.memory_space<vmem>>, %arg8: memref<160x125xi32, #tpu.memory_space<vmem>>, %arg9: memref<125x64xf32, #tpu.memory_space<vmem>>, %arg10: memref<125x64xf32, #tpu.memory_space<vmem>>, %arg11: memref<125x64xf32, #tpu.memory_space<vmem>>, %arg12: memref<125x64xf32, #tpu.memory_space<vmem>>, %arg13: memref<125x64xf32, #tpu.memory_space<vmem>>, %arg14: memref<!tpu.dma_semaphore, #tpu.memory_space<semaphore_mem>>, %arg15: memref<!tpu.dma_semaphore, #tpu.memory_space<semaphore_mem>>, %arg16: memref<!tpu.dma_semaphore, #tpu.memory_space<semaphore_mem>>, %arg17: memref<!tpu.dma_semaphore, #tpu.memory_space<semaphore_mem>>, %arg18: memref<!tpu.dma_semaphore, #tpu.memory_space<semaphore_mem>>, %arg19: memref<!tpu.dma_semaphore, #tpu.memory_space<semaphore_mem>>, %arg20: memref<!tpu.dma_semaphore, #tpu.memory_space<semaphore_mem>>, %arg21: memref<!tpu.dma_semaphore, #tpu.memory_space<semaphore_mem>>, %arg22: memref<!tpu.dma_semaphore, #tpu.memory_space<semaphore_mem>>, %arg23: memref<!tpu.dma_semaphore, #tpu.memory_space<semaphore_mem>>, %arg24: memref<!tpu.dma_semaphore, #tpu.memory_space<semaphore_mem>>, %arg25: memref<!tpu.dma_semaphore, #tpu.memory_space<semaphore_mem>>, %arg26: memref<80x64xf32, #tpu.memory_space<vmem>>, %arg27: memref<10000x64xf32, #tpu.memory_space<vmem_shared>>, %arg28: memref<2000xf32, #tpu.memory_space<vmem>>, %arg29: memref<128xf32, #tpu.memory_space<vmem>>, %arg30: memref<!tpu.dma_semaphore, #tpu.memory_space<semaphore_mem>>, %arg31: memref<10000xf32, #tpu.memory_space<vmem_shared>>) attributes {dimension_semantics = [#tpu.dimension_semantics<core_parallel>, #tpu.dimension_semantics<subcore_parallel>], iteration_bounds = array<i64: 2, 16>, scalar_prefetch = 0 : i64, scratch_operands = 25 : i64, tpu.core_type = #tpu.core_type<sc_vector_subcore>, window_params = [{transform_indices = #map}, {transform_indices = #map1}, {transform_indices = #map2}, {transform_indices = #map}, {transform_indices = #map}]} {
    %dma_start3A = arith.constant 0 : i32
    %dma_start3A_0 = arith.constant 0 : i32
    %dma_start3A_1 = tpu.memref_slice %arg3[%arg0, %arg1, %dma_start3A, %dma_start3A_0] : memref<2x16x160x125xi32, #tpu.memory_space<hbm>> -> memref<1x1x160x125xi32, #tpu.memory_space<hbm>>
    %dma_start3A_2 = tpu.memref_squeeze %dma_start3A_1 : memref<1x1x160x125xi32, #tpu.memory_space<hbm>> -> memref<160x125xi32, #tpu.memory_space<hbm>>
    %dma_start3A_3 = arith.constant 0 : i32
    %dma_start3A_4 = arith.constant 0 : i32
    %dma_start3A_5 = tpu.memref_slice %arg3[%arg0, %arg1, %dma_start3A_3, %dma_start3A_4] : memref<2x16x160x125xi32, #tpu.memory_space<hbm>> -> memref<1x1x160x125xi32, #tpu.memory_space<hbm>>
    %dma_start3A_6 = tpu.memref_squeeze %dma_start3A_5 : memref<1x1x160x125xi32, #tpu.memory_space<hbm>> -> memref<160x125xi32, #tpu.memory_space<hbm>>
    tpu.enqueue_dma source(%dma_start3A_6 : memref<160x125xi32, #tpu.memory_space<hbm>>) target(%arg7 : memref<160x125xi32, #tpu.memory_space<vmem>>) target_semaphore(%arg24 : memref<!tpu.dma_semaphore, #tpu.memory_space<semaphore_mem>>)
    %dma_start3A_7 = arith.constant 0 : i32
    %dma_start3A_8 = arith.constant 0 : i32
    %dma_start3A_9 = tpu.memref_slice %arg4[%arg1, %dma_start3A_7, %dma_start3A_8] : memref<16x160x125xi32, #tpu.memory_space<hbm>> -> memref<1x160x125xi32, #tpu.memory_space<hbm>>
    %dma_start3A_10 = tpu.memref_squeeze %dma_start3A_9 : memref<1x160x125xi32, #tpu.memory_space<hbm>> -> memref<160x125xi32, #tpu.memory_space<hbm>>
    %dma_start3A_11 = arith.constant 0 : i32
    %dma_start3A_12 = arith.constant 0 : i32
    %dma_start3A_13 = tpu.memref_slice %arg4[%arg1, %dma_start3A_11, %dma_start3A_12] : memref<16x160x125xi32, #tpu.memory_space<hbm>> -> memref<1x160x125xi32, #tpu.memory_space<hbm>>
    %dma_start3A_14 = tpu.memref_squeeze %dma_start3A_13 : memref<1x160x125xi32, #tpu.memory_space<hbm>> -> memref<160x125xi32, #tpu.memory_space<hbm>>
    tpu.enqueue_dma source(%dma_start3A_14 : memref<160x125xi32, #tpu.memory_space<hbm>>) target(%arg8 : memref<160x125xi32, #tpu.memory_space<vmem>>) target_semaphore(%arg24 : memref<!tpu.dma_semaphore, #tpu.memory_space<semaphore_mem>>)
    %broadcast_in_dim3A = arith.constant 0.000000e+00 : f32
    %broadcast_in_dim3A_15 = vector.broadcast %broadcast_in_dim3A : f32 to vector<16xf32>
    %scan3A = arith.constant 0 : i32
    %scan3A_16 = arith.constant 80 : i32
    %scan3A_17 = arith.addi %scan3A, %scan3A_16 : i32
    %scan3A_18 = arith.constant 1 : i32
    scf.for %scan3A_133 = %scan3A to %scan3A_17 step %scan3A_18  : i32 {
      %mul3A_134 = arith.constant 1 : i32
      %mul3A_135 = arith.muli %scan3A_133, %mul3A_134 : i32
      %add3A = arith.constant 0 : i32
      %add3A_136 = arith.addi %add3A, %mul3A_135 : i32
      %scan3A_137 = arith.constant 0 : i32
      %scan3A_138 = arith.constant 4 : i32
      %scan3A_139 = arith.addi %scan3A_137, %scan3A_138 : i32
      %scan3A_140 = arith.constant 1 : i32
      scf.for %scan3A_142 = %scan3A_137 to %scan3A_139 step %scan3A_140  : i32 {
        %mul3A_143 = arith.constant 1 : i32
        %mul3A_144 = arith.muli %scan3A_142, %mul3A_143 : i32
        %add3A_145 = arith.constant 0 : i32
        %add3A_146 = arith.addi %add3A_145, %mul3A_144 : i32
        %mul3A_147 = arith.constant 16 : i32
        %mul3A_148 = arith.muli %add3A_146, %mul3A_147 : i32
        %swap3A = arith.index_cast %add3A_136 : i32 to index
        %swap3A_149 = arith.index_cast %mul3A_148 : i32 to index
        %swap3A_150 = tpu.vector_load %arg26[%swap3A, %swap3A_149] {strides = array<i32>} : memref<80x64xf32, #tpu.memory_space<vmem>>, vector<1x16xf32>,
        %swap3A_151 = vector.shape_cast %swap3A_150 : vector<1x16xf32> to vector<16xf32>
        %swap3A_152 = vector.shape_cast %broadcast_in_dim3A_15 : vector<16xf32> to vector<1x16xf32>
        tpu.vector_store %arg26[%swap3A, %swap3A_149], %swap3A_152 {strides = array<i32>} : memref<80x64xf32, #tpu.memory_space<vmem>>, vector<1x16xf32>,
      }
      %scan3A_141 = arith.constant 4 : i32
    }
    %scan3A_19 = arith.constant 80 : i32
    %lt3A = arith.constant 15 : i32
    %lt3A_20 = arith.cmpi slt, %arg1, %lt3A : i32
    %convert_element_type3A = arith.extui %lt3A_20 : i1 to i32
    %cond3A = arith.constant 0 : i32
    %cond3A_21 = arith.cmpi ne, %convert_element_type3A, %cond3A : i32
    scf.if %cond3A_21 {
      %scan3A_133 = arith.constant 0 : i32
      %scan3A_134 = arith.constant 8 : i32
      %scan3A_135 = arith.addi %scan3A_133, %scan3A_134 : i32
      %scan3A_136 = arith.constant 1 : i32
      scf.for %scan3A_138 = %scan3A_133 to %scan3A_135 step %scan3A_136  : i32 {
        %mul3A_139 = arith.constant 1 : i32
        %mul3A_140 = arith.muli %scan3A_138, %mul3A_139 : i32
        %add3A = arith.constant 0 : i32
        %add3A_141 = arith.addi %add3A, %mul3A_140 : i32
        %mul3A_142 = arith.constant 640 : i32
        %mul3A_143 = arith.muli %arg1, %mul3A_142 : i32
        %mul3A_144 = arith.constant 80 : i32
        %mul3A_145 = arith.muli %add3A_141, %mul3A_144 : i32
        %add3A_146 = arith.addi %mul3A_143, %mul3A_145 : i32
        %dma_start3A_147 = arith.constant 0 : i32
        %dma_start3A_148 = tpu.memref_slice %arg27[%add3A_146, %dma_start3A_147] : memref<10000x64xf32, #tpu.memory_space<vmem_shared>> -> memref<80x64xf32, #tpu.memory_space<vmem_shared>>
        %dma_start3A_149 = arith.constant 0 : i32
        %dma_start3A_150 = tpu.memref_slice %arg27[%add3A_146, %dma_start3A_149] : memref<10000x64xf32, #tpu.memory_space<vmem_shared>> -> memref<80x64xf32, #tpu.memory_space<vmem_shared>>
        tpu.enqueue_dma source(%arg26 : memref<80x64xf32, #tpu.memory_space<vmem>>) target(%dma_start3A_150 : memref<80x64xf32, #tpu.memory_space<vmem_shared>>) target_semaphore(%arg25 : memref<!tpu.dma_semaphore, #tpu.memory_space<semaphore_mem>>)
      }
      %scan3A_137 = arith.constant 8 : i32
    } else {
    }
    %eq3A = arith.constant 15 : i32
    %eq3A_22 = arith.cmpi eq, %arg1, %eq3A : i32
    %convert_element_type3A_23 = arith.extui %eq3A_22 : i1 to i32
    %cond3A_24 = arith.constant 0 : i32
    %cond3A_25 = arith.cmpi ne, %convert_element_type3A_23, %cond3A_24 : i32
    scf.if %cond3A_25 {
      %scan3A_133 = arith.constant 0 : i32
      %scan3A_134 = arith.constant 5 : i32
      %scan3A_135 = arith.addi %scan3A_133, %scan3A_134 : i32
      %scan3A_136 = arith.constant 1 : i32
      scf.for %scan3A_138 = %scan3A_133 to %scan3A_135 step %scan3A_136  : i32 {
        %mul3A_139 = arith.constant 1 : i32
        %mul3A_140 = arith.muli %scan3A_138, %mul3A_139 : i32
        %add3A = arith.constant 0 : i32
        %add3A_141 = arith.addi %add3A, %mul3A_140 : i32
        %mul3A_142 = arith.constant 80 : i32
        %mul3A_143 = arith.muli %add3A_141, %mul3A_142 : i32
        %add3A_144 = arith.constant 9600 : i32
        %add3A_145 = arith.addi %add3A_144, %mul3A_143 : i32
        %dma_start3A_146 = arith.constant 0 : i32
        %dma_start3A_147 = tpu.memref_slice %arg27[%add3A_145, %dma_start3A_146] : memref<10000x64xf32, #tpu.memory_space<vmem_shared>> -> memref<80x64xf32, #tpu.memory_space<vmem_shared>>
        %dma_start3A_148 = arith.constant 0 : i32
        %dma_start3A_149 = tpu.memref_slice %arg27[%add3A_145, %dma_start3A_148] : memref<10000x64xf32, #tpu.memory_space<vmem_shared>> -> memref<80x64xf32, #tpu.memory_space<vmem_shared>>
        tpu.enqueue_dma source(%arg26 : memref<80x64xf32, #tpu.memory_space<vmem>>) target(%dma_start3A_149 : memref<80x64xf32, #tpu.memory_space<vmem_shared>>) target_semaphore(%arg25 : memref<!tpu.dma_semaphore, #tpu.memory_space<semaphore_mem>>)
      }
      %scan3A_137 = arith.constant 5 : i32
    } else {
    }
    %scan3A_26 = arith.constant 0 : i32
    %scan3A_27 = arith.constant 125 : i32
    %scan3A_28 = arith.addi %scan3A_26, %scan3A_27 : i32
    %scan3A_29 = arith.constant 1 : i32
    scf.for %scan3A_133 = %scan3A_26 to %scan3A_28 step %scan3A_29  : i32 {
      %mul3A_134 = arith.constant 1 : i32
      %mul3A_135 = arith.muli %scan3A_133, %mul3A_134 : i32
      %add3A = arith.constant 0 : i32
      %add3A_136 = arith.addi %add3A, %mul3A_135 : i32
      %mul3A_137 = arith.constant 16 : i32
      %mul3A_138 = arith.muli %add3A_136, %mul3A_137 : i32
      %swap3A = arith.index_cast %mul3A_138 : i32 to index
      %swap3A_139 = tpu.vector_load %arg28[%swap3A] {strides = array<i32>} : memref<2000xf32, #tpu.memory_space<vmem>>, vector<16xf32>,
      %swap3A_140 = vector.shape_cast %swap3A_139 : vector<16xf32> to vector<16xf32>
      %swap3A_141 = vector.shape_cast %broadcast_in_dim3A_15 : vector<16xf32> to vector<16xf32>
      tpu.vector_store %arg28[%swap3A], %swap3A_141 {strides = array<i32>} : memref<2000xf32, #tpu.memory_space<vmem>>, vector<16xf32>,
    }
    %scan3A_30 = arith.constant 125 : i32
    %scan3A_31 = arith.constant 0 : i32
    %scan3A_32 = arith.constant 8 : i32
    %scan3A_33 = arith.addi %scan3A_31, %scan3A_32 : i32
    %scan3A_34 = arith.constant 1 : i32
    scf.for %scan3A_133 = %scan3A_31 to %scan3A_33 step %scan3A_34  : i32 {
      %mul3A_134 = arith.constant 1 : i32
      %mul3A_135 = arith.muli %scan3A_133, %mul3A_134 : i32
      %add3A = arith.constant 0 : i32
      %add3A_136 = arith.addi %add3A, %mul3A_135 : i32
      %broadcast_in_dim3A_137 = arith.constant 1.000000e+00 : f32
      %broadcast_in_dim3A_138 = vector.broadcast %broadcast_in_dim3A_137 : f32 to vector<16xf32>
      %mul3A_139 = arith.constant 16 : i32
      %mul3A_140 = arith.muli %add3A_136, %mul3A_139 : i32
      %swap3A = arith.index_cast %mul3A_140 : i32 to index
      %swap3A_141 = tpu.vector_load %arg29[%swap3A] {strides = array<i32>} : memref<128xf32, #tpu.memory_space<vmem>>, vector<16xf32>,
      %swap3A_142 = vector.shape_cast %swap3A_141 : vector<16xf32> to vector<16xf32>
      %swap3A_143 = vector.shape_cast %broadcast_in_dim3A_138 : vector<16xf32> to vector<16xf32>
      tpu.vector_store %arg29[%swap3A], %swap3A_143 {strides = array<i32>} : memref<128xf32, #tpu.memory_space<vmem>>, vector<16xf32>,
    }
    %scan3A_35 = arith.constant 8 : i32
    %eq3A_36 = arith.constant 0 : i32
    %eq3A_37 = arith.cmpi eq, %arg1, %eq3A_36 : i32
    %convert_element_type3A_38 = arith.extui %eq3A_37 : i1 to i32
    %cond3A_39 = arith.constant 0 : i32
    %cond3A_40 = arith.cmpi ne, %convert_element_type3A_38, %cond3A_39 : i32
    scf.if %cond3A_40 {
      %scan3A_133 = arith.constant 0 : i32
      %scan3A_134 = arith.constant 5 : i32
      %scan3A_135 = arith.addi %scan3A_133, %scan3A_134 : i32
      %scan3A_136 = arith.constant 1 : i32
      scf.for %scan3A_138 = %scan3A_133 to %scan3A_135 step %scan3A_136  : i32 {
        %mul3A_139 = arith.constant 1 : i32
        %mul3A_140 = arith.muli %scan3A_138, %mul3A_139 : i32
        %add3A = arith.constant 0 : i32
        %add3A_141 = arith.addi %add3A, %mul3A_140 : i32
        %mul3A_142 = arith.constant 2000 : i32
        %mul3A_143 = arith.muli %add3A_141, %mul3A_142 : i32
        %dma_start3A_144 = tpu.memref_slice %arg31[%mul3A_143] : memref<10000xf32, #tpu.memory_space<vmem_shared>> -> memref<2000xf32, #tpu.memory_space<vmem_shared>>
        %dma_start3A_145 = tpu.memref_slice %arg31[%mul3A_143] : memref<10000xf32, #tpu.memory_space<vmem_shared>> -> memref<2000xf32, #tpu.memory_space<vmem_shared>>
        tpu.enqueue_dma source(%arg28 : memref<2000xf32, #tpu.memory_space<vmem>>) target(%dma_start3A_145 : memref<2000xf32, #tpu.memory_space<vmem_shared>>) target_semaphore(%arg25 : memref<!tpu.dma_semaphore, #tpu.memory_space<semaphore_mem>>)
      }
      %scan3A_137 = arith.constant 5 : i32
    } else {
    }
    %dma_wait3A = arith.constant 0 : i32
    %dma_wait3A_41 = arith.constant 0 : i32
    %dma_wait3A_42 = tpu.memref_slice %arg3[%arg0, %arg1, %dma_wait3A, %dma_wait3A_41] : memref<2x16x160x125xi32, #tpu.memory_space<hbm>> -> memref<1x1x160x125xi32, #tpu.memory_space<hbm>>
    %dma_wait3A_43 = tpu.memref_squeeze %dma_wait3A_42 : memref<1x1x160x125xi32, #tpu.memory_space<hbm>> -> memref<160x125xi32, #tpu.memory_space<hbm>>
    %dma_wait3A_44 = arith.constant 0 : i32
    %dma_wait3A_45 = arith.constant 0 : i32
    %dma_wait3A_46 = tpu.memref_slice %arg3[%arg0, %arg1, %dma_wait3A_44, %dma_wait3A_45] : memref<2x16x160x125xi32, #tpu.memory_space<hbm>> -> memref<1x1x160x125xi32, #tpu.memory_space<hbm>>
    %dma_wait3A_47 = tpu.memref_squeeze %dma_wait3A_46 : memref<1x1x160x125xi32, #tpu.memory_space<hbm>> -> memref<160x125xi32, #tpu.memory_space<hbm>>
    tpu.wait_dma2 semaphore(%arg24 : memref<!tpu.dma_semaphore, #tpu.memory_space<semaphore_mem>>) src(%dma_wait3A_47 : memref<160x125xi32, #tpu.memory_space<hbm>>) dst(%arg7 : memref<160x125xi32, #tpu.memory_space<vmem>>)
    %dma_wait3A_48 = arith.constant 0 : i32
    %dma_wait3A_49 = arith.constant 0 : i32
    %dma_wait3A_50 = tpu.memref_slice %arg4[%arg1, %dma_wait3A_48, %dma_wait3A_49] : memref<16x160x125xi32, #tpu.memory_space<hbm>> -> memref<1x160x125xi32, #tpu.memory_space<hbm>>
    %dma_wait3A_51 = tpu.memref_squeeze %dma_wait3A_50 : memref<1x160x125xi32, #tpu.memory_space<hbm>> -> memref<160x125xi32, #tpu.memory_space<hbm>>
    %dma_wait3A_52 = arith.constant 0 : i32
    %dma_wait3A_53 = arith.constant 0 : i32
    %dma_wait3A_54 = tpu.memref_slice %arg4[%arg1, %dma_wait3A_52, %dma_wait3A_53] : memref<16x160x125xi32, #tpu.memory_space<hbm>> -> memref<1x160x125xi32, #tpu.memory_space<hbm>>
    %dma_wait3A_55 = tpu.memref_squeeze %dma_wait3A_54 : memref<1x160x125xi32, #tpu.memory_space<hbm>> -> memref<160x125xi32, #tpu.memory_space<hbm>>
    tpu.wait_dma2 semaphore(%arg24 : memref<!tpu.dma_semaphore, #tpu.memory_space<semaphore_mem>>) src(%dma_wait3A_55 : memref<160x125xi32, #tpu.memory_space<hbm>>) dst(%arg8 : memref<160x125xi32, #tpu.memory_space<vmem>>)
    %lt3A_56 = arith.constant 15 : i32
    %lt3A_57 = arith.cmpi slt, %arg1, %lt3A_56 : i32
    %convert_element_type3A_58 = arith.extui %lt3A_57 : i1 to i32
    %cond3A_59 = arith.constant 0 : i32
    %cond3A_60 = arith.cmpi ne, %convert_element_type3A_58, %cond3A_59 : i32
    scf.if %cond3A_60 {
      %scan3A_133 = arith.constant 0 : i32
      %scan3A_134 = arith.constant 8 : i32
      %scan3A_135 = arith.addi %scan3A_133, %scan3A_134 : i32
      %scan3A_136 = arith.constant 1 : i32
      scf.for %scan3A_138 = %scan3A_133 to %scan3A_135 step %scan3A_136  : i32 {
        %mul3A_139 = arith.constant 1 : i32
        %mul3A_140 = arith.muli %scan3A_138, %mul3A_139 : i32
        %add3A = arith.constant 0 : i32
        %add3A_141 = arith.addi %add3A, %mul3A_140 : i32
        %mul3A_142 = arith.constant 640 : i32
        %mul3A_143 = arith.muli %arg1, %mul3A_142 : i32
        %mul3A_144 = arith.constant 80 : i32
        %mul3A_145 = arith.muli %add3A_141, %mul3A_144 : i32
        %add3A_146 = arith.addi %mul3A_143, %mul3A_145 : i32
        %dma_wait3A_147 = arith.constant 0 : i32
        %dma_wait3A_148 = tpu.memref_slice %arg27[%add3A_146, %dma_wait3A_147] : memref<10000x64xf32, #tpu.memory_space<vmem_shared>> -> memref<80x64xf32, #tpu.memory_space<vmem_shared>>
        %dma_wait3A_149 = arith.constant 0 : i32
        %dma_wait3A_150 = tpu.memref_slice %arg27[%add3A_146, %dma_wait3A_149] : memref<10000x64xf32, #tpu.memory_space<vmem_shared>> -> memref<80x64xf32, #tpu.memory_space<vmem_shared>>
        tpu.wait_dma2 semaphore(%arg25 : memref<!tpu.dma_semaphore, #tpu.memory_space<semaphore_mem>>) src(%arg26 : memref<80x64xf32, #tpu.memory_space<vmem>>) dst(%dma_wait3A_150 : memref<80x64xf32, #tpu.memory_space<vmem_shared>>)
      }
      %scan3A_137 = arith.constant 8 : i32
    } else {
    }
    %eq3A_61 = arith.constant 15 : i32
    %eq3A_62 = arith.cmpi eq, %arg1, %eq3A_61 : i32
    %convert_element_type3A_63 = arith.extui %eq3A_62 : i1 to i32
    %cond3A_64 = arith.constant 0 : i32
    %cond3A_65 = arith.cmpi ne, %convert_element_type3A_63, %cond3A_64 : i32
    scf.if %cond3A_65 {
      %scan3A_133 = arith.constant 0 : i32
      %scan3A_134 = arith.constant 5 : i32
      %scan3A_135 = arith.addi %scan3A_133, %scan3A_134 : i32
      %scan3A_136 = arith.constant 1 : i32
      scf.for %scan3A_138 = %scan3A_133 to %scan3A_135 step %scan3A_136  : i32 {
        %mul3A_139 = arith.constant 1 : i32
        %mul3A_140 = arith.muli %scan3A_138, %mul3A_139 : i32
        %add3A = arith.constant 0 : i32
        %add3A_141 = arith.addi %add3A, %mul3A_140 : i32
        %mul3A_142 = arith.constant 80 : i32
        %mul3A_143 = arith.muli %add3A_141, %mul3A_142 : i32
        %add3A_144 = arith.constant 9600 : i32
        %add3A_145 = arith.addi %add3A_144, %mul3A_143 : i32
        %dma_wait3A_146 = arith.constant 0 : i32
        %dma_wait3A_147 = tpu.memref_slice %arg27[%add3A_145, %dma_wait3A_146] : memref<10000x64xf32, #tpu.memory_space<vmem_shared>> -> memref<80x64xf32, #tpu.memory_space<vmem_shared>>
        %dma_wait3A_148 = arith.constant 0 : i32
        %dma_wait3A_149 = tpu.memref_slice %arg27[%add3A_145, %dma_wait3A_148] : memref<10000x64xf32, #tpu.memory_space<vmem_shared>> -> memref<80x64xf32, #tpu.memory_space<vmem_shared>>
        tpu.wait_dma2 semaphore(%arg25 : memref<!tpu.dma_semaphore, #tpu.memory_space<semaphore_mem>>) src(%arg26 : memref<80x64xf32, #tpu.memory_space<vmem>>) dst(%dma_wait3A_149 : memref<80x64xf32, #tpu.memory_space<vmem_shared>>)
      }
      %scan3A_137 = arith.constant 5 : i32
    } else {
    }
    %eq3A_66 = arith.constant 0 : i32
    %eq3A_67 = arith.cmpi eq, %arg1, %eq3A_66 : i32
    %convert_element_type3A_68 = arith.extui %eq3A_67 : i1 to i32
    %cond3A_69 = arith.constant 0 : i32
    %cond3A_70 = arith.cmpi ne, %convert_element_type3A_68, %cond3A_69 : i32
    scf.if %cond3A_70 {
      %scan3A_133 = arith.constant 0 : i32
      %scan3A_134 = arith.constant 5 : i32
      %scan3A_135 = arith.addi %scan3A_133, %scan3A_134 : i32
      %scan3A_136 = arith.constant 1 : i32
      scf.for %scan3A_138 = %scan3A_133 to %scan3A_135 step %scan3A_136  : i32 {
        %mul3A_139 = arith.constant 1 : i32
        %mul3A_140 = arith.muli %scan3A_138, %mul3A_139 : i32
        %add3A = arith.constant 0 : i32
        %add3A_141 = arith.addi %add3A, %mul3A_140 : i32
        %mul3A_142 = arith.constant 2000 : i32
        %mul3A_143 = arith.muli %add3A_141, %mul3A_142 : i32
        %dma_wait3A_144 = tpu.memref_slice %arg31[%mul3A_143] : memref<10000xf32, #tpu.memory_space<vmem_shared>> -> memref<2000xf32, #tpu.memory_space<vmem_shared>>
        %dma_wait3A_145 = tpu.memref_slice %arg31[%mul3A_143] : memref<10000xf32, #tpu.memory_space<vmem_shared>> -> memref<2000xf32, #tpu.memory_space<vmem_shared>>
        tpu.wait_dma2 semaphore(%arg25 : memref<!tpu.dma_semaphore, #tpu.memory_space<semaphore_mem>>) src(%arg28 : memref<2000xf32, #tpu.memory_space<vmem>>) dst(%dma_wait3A_145 : memref<2000xf32, #tpu.memory_space<vmem_shared>>)
      }
      %scan3A_137 = arith.constant 5 : i32
    } else {
    }
    %barrier3A = arith.constant 0 : index
    tpu.barrier barrier_id(%barrier3A)
    %dma_start3A_71 = arith.constant 0 : i32
    %dma_start3A_72 = arith.constant 0 : i32
    %dma_start3A_73 = tpu.memref_slice %arg7[%dma_start3A_71, %dma_start3A_72] : memref<160x125xi32, #tpu.memory_space<vmem>> -> memref<1x125xi32, #tpu.memory_space<vmem>>
    %dma_start3A_74 = tpu.memref_squeeze %dma_start3A_73 : memref<1x125xi32, #tpu.memory_space<vmem>> -> memref<125xi32, #tpu.memory_space<vmem>>
    %dma_start3A_75 = arith.constant 0 : i32
    %dma_start3A_76 = arith.constant 0 : i32
    %dma_start3A_77 = tpu.memref_slice %arg2[%dma_start3A_75, %dma_start3A_76] : memref<20000x64xf32, #tpu.memory_space<hbm>> -> memref<20000x64xf32, #tpu.memory_space<hbm>>
    tpu.enqueue_indirect_dma source(%dma_start3A_77 : memref<20000x64xf32, #tpu.memory_space<hbm>>) target(%arg9 : memref<125x64xf32, #tpu.memory_space<vmem>>) offsets(%dma_start3A_74 : memref<125xi32, #tpu.memory_space<vmem>>) semaphore(%arg14 : memref<!tpu.dma_semaphore, #tpu.memory_space<semaphore_mem>>)
    %dma_start3A_78 = arith.constant 1 : i32
    %dma_start3A_79 = arith.constant 0 : i32
    %dma_start3A_80 = tpu.memref_slice %arg7[%dma_start3A_78, %dma_start3A_79] : memref<160x125xi32, #tpu.memory_space<vmem>> -> memref<1x125xi32, #tpu.memory_space<vmem>>
    %dma_start3A_81 = tpu.memref_squeeze %dma_start3A_80 : memref<1x125xi32, #tpu.memory_space<vmem>> -> memref<125xi32, #tpu.memory_space<vmem>>
    %dma_start3A_82 = arith.constant 0 : i32
    %dma_start3A_83 = arith.constant 0 : i32
    %dma_start3A_84 = tpu.memref_slice %arg2[%dma_start3A_82, %dma_start3A_83] : memref<20000x64xf32, #tpu.memory_space<hbm>> -> memref<20000x64xf32, #tpu.memory_space<hbm>>
    tpu.enqueue_indirect_dma source(%dma_start3A_84 : memref<20000x64xf32, #tpu.memory_space<hbm>>) target(%arg10 : memref<125x64xf32, #tpu.memory_space<vmem>>) offsets(%dma_start3A_81 : memref<125xi32, #tpu.memory_space<vmem>>) semaphore(%arg15 : memref<!tpu.dma_semaphore, #tpu.memory_space<semaphore_mem>>)
    %dma_start3A_85 = arith.constant 2 : i32
    %dma_start3A_86 = arith.constant 0 : i32
    %dma_start3A_87 = tpu.memref_slice %arg7[%dma_start3A_85, %dma_start3A_86] : memref<160x125xi32, #tpu.memory_space<vmem>> -> memref<1x125xi32, #tpu.memory_space<vmem>>
    %dma_start3A_88 = tpu.memref_squeeze %dma_start3A_87 : memref<1x125xi32, #tpu.memory_space<vmem>> -> memref<125xi32, #tpu.memory_space<vmem>>
    %dma_start3A_89 = arith.constant 0 : i32
    %dma_start3A_90 = arith.constant 0 : i32
    %dma_start3A_91 = tpu.memref_slice %arg2[%dma_start3A_89, %dma_start3A_90] : memref<20000x64xf32, #tpu.memory_space<hbm>> -> memref<20000x64xf32, #tpu.memory_space<hbm>>
    tpu.enqueue_indirect_dma source(%dma_start3A_91 : memref<20000x64xf32, #tpu.memory_space<hbm>>) target(%arg11 : memref<125x64xf32, #tpu.memory_space<vmem>>) offsets(%dma_start3A_88 : memref<125xi32, #tpu.memory_space<vmem>>) semaphore(%arg16 : memref<!tpu.dma_semaphore, #tpu.memory_space<semaphore_mem>>)
    %dma_start3A_92 = arith.constant 3 : i32
    %dma_start3A_93 = arith.constant 0 : i32
    %dma_start3A_94 = tpu.memref_slice %arg7[%dma_start3A_92, %dma_start3A_93] : memref<160x125xi32, #tpu.memory_space<vmem>> -> memref<1x125xi32, #tpu.memory_space<vmem>>
    %dma_start3A_95 = tpu.memref_squeeze %dma_start3A_94 : memref<1x125xi32, #tpu.memory_space<vmem>> -> memref<125xi32, #tpu.memory_space<vmem>>
    %dma_start3A_96 = arith.constant 0 : i32
    %dma_start3A_97 = arith.constant 0 : i32
    %dma_start3A_98 = tpu.memref_slice %arg2[%dma_start3A_96, %dma_start3A_97] : memref<20000x64xf32, #tpu.memory_space<hbm>> -> memref<20000x64xf32, #tpu.memory_space<hbm>>
    tpu.enqueue_indirect_dma source(%dma_start3A_98 : memref<20000x64xf32, #tpu.memory_space<hbm>>) target(%arg12 : memref<125x64xf32, #tpu.memory_space<vmem>>) offsets(%dma_start3A_95 : memref<125xi32, #tpu.memory_space<vmem>>) semaphore(%arg17 : memref<!tpu.dma_semaphore, #tpu.memory_space<semaphore_mem>>)
    %dma_start3A_99 = arith.constant 4 : i32
    %dma_start3A_100 = arith.constant 0 : i32
    %dma_start3A_101 = tpu.memref_slice %arg7[%dma_start3A_99, %dma_start3A_100] : memref<160x125xi32, #tpu.memory_space<vmem>> -> memref<1x125xi32, #tpu.memory_space<vmem>>
    %dma_start3A_102 = tpu.memref_squeeze %dma_start3A_101 : memref<1x125xi32, #tpu.memory_space<vmem>> -> memref<125xi32, #tpu.memory_space<vmem>>
    %dma_start3A_103 = arith.constant 0 : i32
    %dma_start3A_104 = arith.constant 0 : i32
    %dma_start3A_105 = tpu.memref_slice %arg2[%dma_start3A_103, %dma_start3A_104] : memref<20000x64xf32, #tpu.memory_space<hbm>> -> memref<20000x64xf32, #tpu.memory_space<hbm>>
    tpu.enqueue_indirect_dma source(%dma_start3A_105 : memref<20000x64xf32, #tpu.memory_space<hbm>>) target(%arg13 : memref<125x64xf32, #tpu.memory_space<vmem>>) offsets(%dma_start3A_102 : memref<125xi32, #tpu.memory_space<vmem>>) semaphore(%arg18 : memref<!tpu.dma_semaphore, #tpu.memory_space<semaphore_mem>>)
    %scan3A_106 = arith.constant 0 : i32
    %scan3A_107 = arith.constant 32 : i32
    %scan3A_108 = arith.addi %scan3A_106, %scan3A_107 : i32
    %scan3A_109 = arith.constant 1 : i32
    scf.for %scan3A_133 = %scan3A_106 to %scan3A_108 step %scan3A_109  : i32 {
      %mul3A_134 = arith.constant 5 : i32
      %mul3A_135 = arith.muli %scan3A_133, %mul3A_134 : i32
      %add3A = arith.constant 0 : i32
      %add3A_136 = arith.addi %add3A, %mul3A_135 : i32
      %add3A_137 = arith.constant 0 : i32
      %add3A_138 = arith.addi %add3A_136, %add3A_137 : i32
      %dma_wait3A_139 = arith.constant 0 : i32
      %dma_wait3A_140 = tpu.memref_slice %arg7[%add3A_138, %dma_wait3A_139] : memref<160x125xi32, #tpu.memory_space<vmem>> -> memref<1x125xi32, #tpu.memory_space<vmem>>
      %dma_wait3A_141 = tpu.memref_squeeze %dma_wait3A_140 : memref<1x125xi32, #tpu.memory_space<vmem>> -> memref<125xi32, #tpu.memory_space<vmem>>
      %dma_wait3A_142 = arith.constant 0 : i32
      %dma_wait3A_143 = arith.constant 0 : i32
      %dma_wait3A_144 = tpu.memref_slice %arg2[%dma_wait3A_142, %dma_wait3A_143] : memref<20000x64xf32, #tpu.memory_space<hbm>> -> memref<20000x64xf32, #tpu.memory_space<hbm>>
      tpu.wait_indirect_dma semaphore(%arg14 : memref<!tpu.dma_semaphore, #tpu.memory_space<semaphore_mem>>) src(%dma_wait3A_144 : memref<20000x64xf32, #tpu.memory_space<hbm>>) dst(%arg9 : memref<125x64xf32, #tpu.memory_space<vmem>>)
      %dma_start3A_145 = arith.constant 0 : i32
      %dma_start3A_146 = tpu.memref_slice %arg8[%add3A_138, %dma_start3A_145] : memref<160x125xi32, #tpu.memory_space<vmem>> -> memref<1x125xi32, #tpu.memory_space<vmem>>
      %dma_start3A_147 = tpu.memref_squeeze %dma_start3A_146 : memref<1x125xi32, #tpu.memory_space<vmem>> -> memref<125xi32, #tpu.memory_space<vmem>>
      %dma_start3A_148 = arith.constant 0 : i32
      %dma_start3A_149 = arith.constant 0 : i32
      %dma_start3A_150 = tpu.memref_slice %arg27[%dma_start3A_148, %dma_start3A_149] : memref<10000x64xf32, #tpu.memory_space<vmem_shared>> -> memref<10000x64xf32, #tpu.memory_space<vmem_shared>>
      tpu.enqueue_indirect_dma source(%arg9 : memref<125x64xf32, #tpu.memory_space<vmem>>) target(%dma_start3A_150 : memref<10000x64xf32, #tpu.memory_space<vmem_shared>>) offsets(%dma_start3A_147 : memref<125xi32, #tpu.memory_space<vmem>>) semaphore(%arg19 : memref<!tpu.dma_semaphore, #tpu.memory_space<semaphore_mem>>) {add = true}
      %lt3A_151 = arith.constant 80 : i32
      %lt3A_152 = arith.cmpi slt, %add3A_138, %lt3A_151 : i32
      %eq3A_153 = arith.constant 0 : i32
      %eq3A_154 = arith.cmpi eq, %arg0, %eq3A_153 : i32
      %eq3A_155 = arith.xori %lt3A_152, %eq3A_154 : i1
      %eq3A_156 = arith.constant true
      %eq3A_157 = arith.xori %eq3A_155, %eq3A_156 : i1
      %convert_element_type3A_158 = arith.extui %eq3A_157 : i1 to i32
      %cond3A_159 = arith.constant 0 : i32
      %cond3A_160 = arith.cmpi ne, %convert_element_type3A_158, %cond3A_159 : i32
      scf.if %cond3A_160 {
        %dma_start3A_332 = arith.constant 0 : i32
        %dma_start3A_333 = tpu.memref_slice %arg29[%dma_start3A_332] : memref<128xf32, #tpu.memory_space<vmem>> -> memref<125xf32, #tpu.memory_space<vmem>>
        %dma_start3A_334 = arith.constant 0 : i32
        %dma_start3A_335 = tpu.memref_slice %arg8[%add3A_138, %dma_start3A_334] : memref<160x125xi32, #tpu.memory_space<vmem>> -> memref<1x125xi32, #tpu.memory_space<vmem>>
        %dma_start3A_336 = tpu.memref_squeeze %dma_start3A_335 : memref<1x125xi32, #tpu.memory_space<vmem>> -> memref<125xi32, #tpu.memory_space<vmem>>
        %dma_start3A_337 = arith.constant 0 : i32
        %dma_start3A_338 = tpu.memref_slice %arg31[%dma_start3A_337] : memref<10000xf32, #tpu.memory_space<vmem_shared>> -> memref<10000xf32, #tpu.memory_space<vmem_shared>>
        tpu.enqueue_indirect_dma source(%dma_start3A_333 : memref<125xf32, #tpu.memory_space<vmem>>) target(%dma_start3A_338 : memref<10000xf32, #tpu.memory_space<vmem_shared>>) offsets(%dma_start3A_336 : memref<125xi32, #tpu.memory_space<vmem>>) semaphore(%arg30 : memref<!tpu.dma_semaphore, #tpu.memory_space<semaphore_mem>>) {add = true}
      } else {
      }
      %add3A_161 = arith.constant 1 : i32
      %add3A_162 = arith.addi %add3A_136, %add3A_161 : i32
      %dma_wait3A_163 = arith.constant 0 : i32
      %dma_wait3A_164 = tpu.memref_slice %arg7[%add3A_162, %dma_wait3A_163] : memref<160x125xi32, #tpu.memory_space<vmem>> -> memref<1x125xi32, #tpu.memory_space<vmem>>
      %dma_wait3A_165 = tpu.memref_squeeze %dma_wait3A_164 : memref<1x125xi32, #tpu.memory_space<vmem>> -> memref<125xi32, #tpu.memory_space<vmem>>
      %dma_wait3A_166 = arith.constant 0 : i32
      %dma_wait3A_167 = arith.constant 0 : i32
      %dma_wait3A_168 = tpu.memref_slice %arg2[%dma_wait3A_166, %dma_wait3A_167] : memref<20000x64xf32, #tpu.memory_space<hbm>> -> memref<20000x64xf32, #tpu.memory_space<hbm>>
      tpu.wait_indirect_dma semaphore(%arg15 : memref<!tpu.dma_semaphore, #tpu.memory_space<semaphore_mem>>) src(%dma_wait3A_168 : memref<20000x64xf32, #tpu.memory_space<hbm>>) dst(%arg10 : memref<125x64xf32, #tpu.memory_space<vmem>>)
      %dma_start3A_169 = arith.constant 0 : i32
      %dma_start3A_170 = tpu.memref_slice %arg8[%add3A_162, %dma_start3A_169] : memref<160x125xi32, #tpu.memory_space<vmem>> -> memref<1x125xi32, #tpu.memory_space<vmem>>
      %dma_start3A_171 = tpu.memref_squeeze %dma_start3A_170 : memref<1x125xi32, #tpu.memory_space<vmem>> -> memref<125xi32, #tpu.memory_space<vmem>>
      %dma_start3A_172 = arith.constant 0 : i32
      %dma_start3A_173 = arith.constant 0 : i32
      %dma_start3A_174 = tpu.memref_slice %arg27[%dma_start3A_172, %dma_start3A_173] : memref<10000x64xf32, #tpu.memory_space<vmem_shared>> -> memref<10000x64xf32, #tpu.memory_space<vmem_shared>>
      tpu.enqueue_indirect_dma source(%arg10 : memref<125x64xf32, #tpu.memory_space<vmem>>) target(%dma_start3A_174 : memref<10000x64xf32, #tpu.memory_space<vmem_shared>>) offsets(%dma_start3A_171 : memref<125xi32, #tpu.memory_space<vmem>>) semaphore(%arg20 : memref<!tpu.dma_semaphore, #tpu.memory_space<semaphore_mem>>) {add = true}
      %lt3A_175 = arith.constant 80 : i32
      %lt3A_176 = arith.cmpi slt, %add3A_162, %lt3A_175 : i32
      %eq3A_177 = arith.constant 0 : i32
      %eq3A_178 = arith.cmpi eq, %arg0, %eq3A_177 : i32
      %eq3A_179 = arith.xori %lt3A_176, %eq3A_178 : i1
      %eq3A_180 = arith.constant true
      %eq3A_181 = arith.xori %eq3A_179, %eq3A_180 : i1
      %convert_element_type3A_182 = arith.extui %eq3A_181 : i1 to i32
      %cond3A_183 = arith.constant 0 : i32
      %cond3A_184 = arith.cmpi ne, %convert_element_type3A_182, %cond3A_183 : i32
      scf.if %cond3A_184 {
        %dma_start3A_332 = arith.constant 0 : i32
        %dma_start3A_333 = tpu.memref_slice %arg29[%dma_start3A_332] : memref<128xf32, #tpu.memory_space<vmem>> -> memref<125xf32, #tpu.memory_space<vmem>>
        %dma_start3A_334 = arith.constant 0 : i32
        %dma_start3A_335 = tpu.memref_slice %arg8[%add3A_162, %dma_start3A_334] : memref<160x125xi32, #tpu.memory_space<vmem>> -> memref<1x125xi32, #tpu.memory_space<vmem>>
        %dma_start3A_336 = tpu.memref_squeeze %dma_start3A_335 : memref<1x125xi32, #tpu.memory_space<vmem>> -> memref<125xi32, #tpu.memory_space<vmem>>
        %dma_start3A_337 = arith.constant 0 : i32
        %dma_start3A_338 = tpu.memref_slice %arg31[%dma_start3A_337] : memref<10000xf32, #tpu.memory_space<vmem_shared>> -> memref<10000xf32, #tpu.memory_space<vmem_shared>>
        tpu.enqueue_indirect_dma source(%dma_start3A_333 : memref<125xf32, #tpu.memory_space<vmem>>) target(%dma_start3A_338 : memref<10000xf32, #tpu.memory_space<vmem_shared>>) offsets(%dma_start3A_336 : memref<125xi32, #tpu.memory_space<vmem>>) semaphore(%arg30 : memref<!tpu.dma_semaphore, #tpu.memory_space<semaphore_mem>>) {add = true}
      } else {
      }
      %add3A_185 = arith.constant 2 : i32
      %add3A_186 = arith.addi %add3A_136, %add3A_185 : i32
      %dma_wait3A_187 = arith.constant 0 : i32
      %dma_wait3A_188 = tpu.memref_slice %arg7[%add3A_186, %dma_wait3A_187] : memref<160x125xi32, #tpu.memory_space<vmem>> -> memref<1x125xi32, #tpu.memory_space<vmem>>
      %dma_wait3A_189 = tpu.memref_squeeze %dma_wait3A_188 : memref<1x125xi32, #tpu.memory_space<vmem>> -> memref<125xi32, #tpu.memory_space<vmem>>
      %dma_wait3A_190 = arith.constant 0 : i32
      %dma_wait3A_191 = arith.constant 0 : i32
      %dma_wait3A_192 = tpu.memref_slice %arg2[%dma_wait3A_190, %dma_wait3A_191] : memref<20000x64xf32, #tpu.memory_space<hbm>> -> memref<20000x64xf32, #tpu.memory_space<hbm>>
      tpu.wait_indirect_dma semaphore(%arg16 : memref<!tpu.dma_semaphore, #tpu.memory_space<semaphore_mem>>) src(%dma_wait3A_192 : memref<20000x64xf32, #tpu.memory_space<hbm>>) dst(%arg11 : memref<125x64xf32, #tpu.memory_space<vmem>>)
      %dma_start3A_193 = arith.constant 0 : i32
      %dma_start3A_194 = tpu.memref_slice %arg8[%add3A_186, %dma_start3A_193] : memref<160x125xi32, #tpu.memory_space<vmem>> -> memref<1x125xi32, #tpu.memory_space<vmem>>
      %dma_start3A_195 = tpu.memref_squeeze %dma_start3A_194 : memref<1x125xi32, #tpu.memory_space<vmem>> -> memref<125xi32, #tpu.memory_space<vmem>>
      %dma_start3A_196 = arith.constant 0 : i32
      %dma_start3A_197 = arith.constant 0 : i32
      %dma_start3A_198 = tpu.memref_slice %arg27[%dma_start3A_196, %dma_start3A_197] : memref<10000x64xf32, #tpu.memory_space<vmem_shared>> -> memref<10000x64xf32, #tpu.memory_space<vmem_shared>>
      tpu.enqueue_indirect_dma source(%arg11 : memref<125x64xf32, #tpu.memory_space<vmem>>) target(%dma_start3A_198 : memref<10000x64xf32, #tpu.memory_space<vmem_shared>>) offsets(%dma_start3A_195 : memref<125xi32, #tpu.memory_space<vmem>>) semaphore(%arg21 : memref<!tpu.dma_semaphore, #tpu.memory_space<semaphore_mem>>) {add = true}
      %lt3A_199 = arith.constant 80 : i32
      %lt3A_200 = arith.cmpi slt, %add3A_186, %lt3A_199 : i32
      %eq3A_201 = arith.constant 0 : i32
      %eq3A_202 = arith.cmpi eq, %arg0, %eq3A_201 : i32
      %eq3A_203 = arith.xori %lt3A_200, %eq3A_202 : i1
      %eq3A_204 = arith.constant true
      %eq3A_205 = arith.xori %eq3A_203, %eq3A_204 : i1
      %convert_element_type3A_206 = arith.extui %eq3A_205 : i1 to i32
      %cond3A_207 = arith.constant 0 : i32
      %cond3A_208 = arith.cmpi ne, %convert_element_type3A_206, %cond3A_207 : i32
      scf.if %cond3A_208 {
        %dma_start3A_332 = arith.constant 0 : i32
        %dma_start3A_333 = tpu.memref_slice %arg29[%dma_start3A_332] : memref<128xf32, #tpu.memory_space<vmem>> -> memref<125xf32, #tpu.memory_space<vmem>>
        %dma_start3A_334 = arith.constant 0 : i32
        %dma_start3A_335 = tpu.memref_slice %arg8[%add3A_186, %dma_start3A_334] : memref<160x125xi32, #tpu.memory_space<vmem>> -> memref<1x125xi32, #tpu.memory_space<vmem>>
        %dma_start3A_336 = tpu.memref_squeeze %dma_start3A_335 : memref<1x125xi32, #tpu.memory_space<vmem>> -> memref<125xi32, #tpu.memory_space<vmem>>
        %dma_start3A_337 = arith.constant 0 : i32
        %dma_start3A_338 = tpu.memref_slice %arg31[%dma_start3A_337] : memref<10000xf32, #tpu.memory_space<vmem_shared>> -> memref<10000xf32, #tpu.memory_space<vmem_shared>>
        tpu.enqueue_indirect_dma source(%dma_start3A_333 : memref<125xf32, #tpu.memory_space<vmem>>) target(%dma_start3A_338 : memref<10000xf32, #tpu.memory_space<vmem_shared>>) offsets(%dma_start3A_336 : memref<125xi32, #tpu.memory_space<vmem>>) semaphore(%arg30 : memref<!tpu.dma_semaphore, #tpu.memory_space<semaphore_mem>>) {add = true}
      } else {
      }
      %add3A_209 = arith.constant 3 : i32
      %add3A_210 = arith.addi %add3A_136, %add3A_209 : i32
      %dma_wait3A_211 = arith.constant 0 : i32
      %dma_wait3A_212 = tpu.memref_slice %arg7[%add3A_210, %dma_wait3A_211] : memref<160x125xi32, #tpu.memory_space<vmem>> -> memref<1x125xi32, #tpu.memory_space<vmem>>
      %dma_wait3A_213 = tpu.memref_squeeze %dma_wait3A_212 : memref<1x125xi32, #tpu.memory_space<vmem>> -> memref<125xi32, #tpu.memory_space<vmem>>
      %dma_wait3A_214 = arith.constant 0 : i32
      %dma_wait3A_215 = arith.constant 0 : i32
      %dma_wait3A_216 = tpu.memref_slice %arg2[%dma_wait3A_214, %dma_wait3A_215] : memref<20000x64xf32, #tpu.memory_space<hbm>> -> memref<20000x64xf32, #tpu.memory_space<hbm>>
      tpu.wait_indirect_dma semaphore(%arg17 : memref<!tpu.dma_semaphore, #tpu.memory_space<semaphore_mem>>) src(%dma_wait3A_216 : memref<20000x64xf32, #tpu.memory_space<hbm>>) dst(%arg12 : memref<125x64xf32, #tpu.memory_space<vmem>>)
      %dma_start3A_217 = arith.constant 0 : i32
      %dma_start3A_218 = tpu.memref_slice %arg8[%add3A_210, %dma_start3A_217] : memref<160x125xi32, #tpu.memory_space<vmem>> -> memref<1x125xi32, #tpu.memory_space<vmem>>
      %dma_start3A_219 = tpu.memref_squeeze %dma_start3A_218 : memref<1x125xi32, #tpu.memory_space<vmem>> -> memref<125xi32, #tpu.memory_space<vmem>>
      %dma_start3A_220 = arith.constant 0 : i32
      %dma_start3A_221 = arith.constant 0 : i32
      %dma_start3A_222 = tpu.memref_slice %arg27[%dma_start3A_220, %dma_start3A_221] : memref<10000x64xf32, #tpu.memory_space<vmem_shared>> -> memref<10000x64xf32, #tpu.memory_space<vmem_shared>>
      tpu.enqueue_indirect_dma source(%arg12 : memref<125x64xf32, #tpu.memory_space<vmem>>) target(%dma_start3A_222 : memref<10000x64xf32, #tpu.memory_space<vmem_shared>>) offsets(%dma_start3A_219 : memref<125xi32, #tpu.memory_space<vmem>>) semaphore(%arg22 : memref<!tpu.dma_semaphore, #tpu.memory_space<semaphore_mem>>) {add = true}
      %lt3A_223 = arith.constant 80 : i32
      %lt3A_224 = arith.cmpi slt, %add3A_210, %lt3A_223 : i32
      %eq3A_225 = arith.constant 0 : i32
      %eq3A_226 = arith.cmpi eq, %arg0, %eq3A_225 : i32
      %eq3A_227 = arith.xori %lt3A_224, %eq3A_226 : i1
      %eq3A_228 = arith.constant true
      %eq3A_229 = arith.xori %eq3A_227, %eq3A_228 : i1
      %convert_element_type3A_230 = arith.extui %eq3A_229 : i1 to i32
      %cond3A_231 = arith.constant 0 : i32
      %cond3A_232 = arith.cmpi ne, %convert_element_type3A_230, %cond3A_231 : i32
      scf.if %cond3A_232 {
        %dma_start3A_332 = arith.constant 0 : i32
        %dma_start3A_333 = tpu.memref_slice %arg29[%dma_start3A_332] : memref<128xf32, #tpu.memory_space<vmem>> -> memref<125xf32, #tpu.memory_space<vmem>>
        %dma_start3A_334 = arith.constant 0 : i32
        %dma_start3A_335 = tpu.memref_slice %arg8[%add3A_210, %dma_start3A_334] : memref<160x125xi32, #tpu.memory_space<vmem>> -> memref<1x125xi32, #tpu.memory_space<vmem>>
        %dma_start3A_336 = tpu.memref_squeeze %dma_start3A_335 : memref<1x125xi32, #tpu.memory_space<vmem>> -> memref<125xi32, #tpu.memory_space<vmem>>
        %dma_start3A_337 = arith.constant 0 : i32
        %dma_start3A_338 = tpu.memref_slice %arg31[%dma_start3A_337] : memref<10000xf32, #tpu.memory_space<vmem_shared>> -> memref<10000xf32, #tpu.memory_space<vmem_shared>>
        tpu.enqueue_indirect_dma source(%dma_start3A_333 : memref<125xf32, #tpu.memory_space<vmem>>) target(%dma_start3A_338 : memref<10000xf32, #tpu.memory_space<vmem_shared>>) offsets(%dma_start3A_336 : memref<125xi32, #tpu.memory_space<vmem>>) semaphore(%arg30 : memref<!tpu.dma_semaphore, #tpu.memory_space<semaphore_mem>>) {add = true}
      } else {
      }
      %add3A_233 = arith.constant 4 : i32
      %add3A_234 = arith.addi %add3A_136, %add3A_233 : i32
      %dma_wait3A_235 = arith.constant 0 : i32
      %dma_wait3A_236 = tpu.memref_slice %arg7[%add3A_234, %dma_wait3A_235] : memref<160x125xi32, #tpu.memory_space<vmem>> -> memref<1x125xi32, #tpu.memory_space<vmem>>
      %dma_wait3A_237 = tpu.memref_squeeze %dma_wait3A_236 : memref<1x125xi32, #tpu.memory_space<vmem>> -> memref<125xi32, #tpu.memory_space<vmem>>
      %dma_wait3A_238 = arith.constant 0 : i32
      %dma_wait3A_239 = arith.constant 0 : i32
      %dma_wait3A_240 = tpu.memref_slice %arg2[%dma_wait3A_238, %dma_wait3A_239] : memref<20000x64xf32, #tpu.memory_space<hbm>> -> memref<20000x64xf32, #tpu.memory_space<hbm>>
      tpu.wait_indirect_dma semaphore(%arg18 : memref<!tpu.dma_semaphore, #tpu.memory_space<semaphore_mem>>) src(%dma_wait3A_240 : memref<20000x64xf32, #tpu.memory_space<hbm>>) dst(%arg13 : memref<125x64xf32, #tpu.memory_space<vmem>>)
      %dma_start3A_241 = arith.constant 0 : i32
      %dma_start3A_242 = tpu.memref_slice %arg8[%add3A_234, %dma_start3A_241] : memref<160x125xi32, #tpu.memory_space<vmem>> -> memref<1x125xi32, #tpu.memory_space<vmem>>
      %dma_start3A_243 = tpu.memref_squeeze %dma_start3A_242 : memref<1x125xi32, #tpu.memory_space<vmem>> -> memref<125xi32, #tpu.memory_space<vmem>>
      %dma_start3A_244 = arith.constant 0 : i32
      %dma_start3A_245 = arith.constant 0 : i32
      %dma_start3A_246 = tpu.memref_slice %arg27[%dma_start3A_244, %dma_start3A_245] : memref<10000x64xf32, #tpu.memory_space<vmem_shared>> -> memref<10000x64xf32, #tpu.memory_space<vmem_shared>>
      tpu.enqueue_indirect_dma source(%arg13 : memref<125x64xf32, #tpu.memory_space<vmem>>) target(%dma_start3A_246 : memref<10000x64xf32, #tpu.memory_space<vmem_shared>>) offsets(%dma_start3A_243 : memref<125xi32, #tpu.memory_space<vmem>>) semaphore(%arg23 : memref<!tpu.dma_semaphore, #tpu.memory_space<semaphore_mem>>) {add = true}
      %lt3A_247 = arith.constant 80 : i32
      %lt3A_248 = arith.cmpi slt, %add3A_234, %lt3A_247 : i32
      %eq3A_249 = arith.constant 0 : i32
      %eq3A_250 = arith.cmpi eq, %arg0, %eq3A_249 : i32
      %eq3A_251 = arith.xori %lt3A_248, %eq3A_250 : i1
      %eq3A_252 = arith.constant true
      %eq3A_253 = arith.xori %eq3A_251, %eq3A_252 : i1
      %convert_element_type3A_254 = arith.extui %eq3A_253 : i1 to i32
      %cond3A_255 = arith.constant 0 : i32
      %cond3A_256 = arith.cmpi ne, %convert_element_type3A_254, %cond3A_255 : i32
      scf.if %cond3A_256 {
        %dma_start3A_332 = arith.constant 0 : i32
        %dma_start3A_333 = tpu.memref_slice %arg29[%dma_start3A_332] : memref<128xf32, #tpu.memory_space<vmem>> -> memref<125xf32, #tpu.memory_space<vmem>>
        %dma_start3A_334 = arith.constant 0 : i32
        %dma_start3A_335 = tpu.memref_slice %arg8[%add3A_234, %dma_start3A_334] : memref<160x125xi32, #tpu.memory_space<vmem>> -> memref<1x125xi32, #tpu.memory_space<vmem>>
        %dma_start3A_336 = tpu.memref_squeeze %dma_start3A_335 : memref<1x125xi32, #tpu.memory_space<vmem>> -> memref<125xi32, #tpu.memory_space<vmem>>
        %dma_start3A_337 = arith.constant 0 : i32
        %dma_start3A_338 = tpu.memref_slice %arg31[%dma_start3A_337] : memref<10000xf32, #tpu.memory_space<vmem_shared>> -> memref<10000xf32, #tpu.memory_space<vmem_shared>>
        tpu.enqueue_indirect_dma source(%dma_start3A_333 : memref<125xf32, #tpu.memory_space<vmem>>) target(%dma_start3A_338 : memref<10000xf32, #tpu.memory_space<vmem_shared>>) offsets(%dma_start3A_336 : memref<125xi32, #tpu.memory_space<vmem>>) semaphore(%arg30 : memref<!tpu.dma_semaphore, #tpu.memory_space<semaphore_mem>>) {add = true}
      } else {
      }
      %add3A_257 = arith.constant 0 : i32
      %add3A_258 = arith.addi %add3A_136, %add3A_257 : i32
      %dma_wait3A_259 = arith.constant 0 : i32
      %dma_wait3A_260 = tpu.memref_slice %arg8[%add3A_258, %dma_wait3A_259] : memref<160x125xi32, #tpu.memory_space<vmem>> -> memref<1x125xi32, #tpu.memory_space<vmem>>
      %dma_wait3A_261 = tpu.memref_squeeze %dma_wait3A_260 : memref<1x125xi32, #tpu.memory_space<vmem>> -> memref<125xi32, #tpu.memory_space<vmem>>
      %dma_wait3A_262 = arith.constant 0 : i32
      %dma_wait3A_263 = arith.constant 0 : i32
      %dma_wait3A_264 = tpu.memref_slice %arg27[%dma_wait3A_262, %dma_wait3A_263] : memref<10000x64xf32, #tpu.memory_space<vmem_shared>> -> memref<10000x64xf32, #tpu.memory_space<vmem_shared>>
      tpu.wait_indirect_dma semaphore(%arg19 : memref<!tpu.dma_semaphore, #tpu.memory_space<semaphore_mem>>) src(%arg9 : memref<125x64xf32, #tpu.memory_space<vmem>>) dst(%dma_wait3A_264 : memref<10000x64xf32, #tpu.memory_space<vmem_shared>>)
      %add3A_265 = arith.constant 5 : i32
      %add3A_266 = arith.addi %add3A_258, %add3A_265 : i32
      %lt3A_267 = arith.constant 160 : i32
      %lt3A_268 = arith.cmpi slt, %add3A_266, %lt3A_267 : i32
      %convert_element_type3A_269 = arith.extui %lt3A_268 : i1 to i32
      %cond3A_270 = arith.constant 0 : i32
      %cond3A_271 = arith.cmpi ne, %convert_element_type3A_269, %cond3A_270 : i32
      scf.if %cond3A_271 {
        %add3A_332 = arith.constant 5 : i32
        %add3A_333 = arith.addi %add3A_258, %add3A_332 : i32
        %dma_start3A_334 = arith.constant 0 : i32
        %dma_start3A_335 = tpu.memref_slice %arg7[%add3A_333, %dma_start3A_334] : memref<160x125xi32, #tpu.memory_space<vmem>> -> memref<1x125xi32, #tpu.memory_space<vmem>>
        %dma_start3A_336 = tpu.memref_squeeze %dma_start3A_335 : memref<1x125xi32, #tpu.memory_space<vmem>> -> memref<125xi32, #tpu.memory_space<vmem>>
        %dma_start3A_337 = arith.constant 0 : i32
        %dma_start3A_338 = arith.constant 0 : i32
        %dma_start3A_339 = tpu.memref_slice %arg2[%dma_start3A_337, %dma_start3A_338] : memref<20000x64xf32, #tpu.memory_space<hbm>> -> memref<20000x64xf32, #tpu.memory_space<hbm>>
        tpu.enqueue_indirect_dma source(%dma_start3A_339 : memref<20000x64xf32, #tpu.memory_space<hbm>>) target(%arg9 : memref<125x64xf32, #tpu.memory_space<vmem>>) offsets(%dma_start3A_336 : memref<125xi32, #tpu.memory_space<vmem>>) semaphore(%arg14 : memref<!tpu.dma_semaphore, #tpu.memory_space<semaphore_mem>>)
      } else {
      }
      %add3A_272 = arith.constant 1 : i32
      %add3A_273 = arith.addi %add3A_136, %add3A_272 : i32
      %dma_wait3A_274 = arith.constant 0 : i32
      %dma_wait3A_275 = tpu.memref_slice %arg8[%add3A_273, %dma_wait3A_274] : memref<160x125xi32, #tpu.memory_space<vmem>> -> memref<1x125xi32, #tpu.memory_space<vmem>>
      %dma_wait3A_276 = tpu.memref_squeeze %dma_wait3A_275 : memref<1x125xi32, #tpu.memory_space<vmem>> -> memref<125xi32, #tpu.memory_space<vmem>>
      %dma_wait3A_277 = arith.constant 0 : i32
      %dma_wait3A_278 = arith.constant 0 : i32
      %dma_wait3A_279 = tpu.memref_slice %arg27[%dma_wait3A_277, %dma_wait3A_278] : memref<10000x64xf32, #tpu.memory_space<vmem_shared>> -> memref<10000x64xf32, #tpu.memory_space<vmem_shared>>
      tpu.wait_indirect_dma semaphore(%arg20 : memref<!tpu.dma_semaphore, #tpu.memory_space<semaphore_mem>>) src(%arg10 : memref<125x64xf32, #tpu.memory_space<vmem>>) dst(%dma_wait3A_279 : memref<10000x64xf32, #tpu.memory_space<vmem_shared>>)
      %add3A_280 = arith.constant 5 : i32
      %add3A_281 = arith.addi %add3A_273, %add3A_280 : i32
      %lt3A_282 = arith.constant 160 : i32
      %lt3A_283 = arith.cmpi slt, %add3A_281, %lt3A_282 : i32
      %convert_element_type3A_284 = arith.extui %lt3A_283 : i1 to i32
      %cond3A_285 = arith.constant 0 : i32
      %cond3A_286 = arith.cmpi ne, %convert_element_type3A_284, %cond3A_285 : i32
      scf.if %cond3A_286 {
        %add3A_332 = arith.constant 5 : i32
        %add3A_333 = arith.addi %add3A_273, %add3A_332 : i32
        %dma_start3A_334 = arith.constant 0 : i32
        %dma_start3A_335 = tpu.memref_slice %arg7[%add3A_333, %dma_start3A_334] : memref<160x125xi32, #tpu.memory_space<vmem>> -> memref<1x125xi32, #tpu.memory_space<vmem>>
        %dma_start3A_336 = tpu.memref_squeeze %dma_start3A_335 : memref<1x125xi32, #tpu.memory_space<vmem>> -> memref<125xi32, #tpu.memory_space<vmem>>
        %dma_start3A_337 = arith.constant 0 : i32
        %dma_start3A_338 = arith.constant 0 : i32
        %dma_start3A_339 = tpu.memref_slice %arg2[%dma_start3A_337, %dma_start3A_338] : memref<20000x64xf32, #tpu.memory_space<hbm>> -> memref<20000x64xf32, #tpu.memory_space<hbm>>
        tpu.enqueue_indirect_dma source(%dma_start3A_339 : memref<20000x64xf32, #tpu.memory_space<hbm>>) target(%arg10 : memref<125x64xf32, #tpu.memory_space<vmem>>) offsets(%dma_start3A_336 : memref<125xi32, #tpu.memory_space<vmem>>) semaphore(%arg15 : memref<!tpu.dma_semaphore, #tpu.memory_space<semaphore_mem>>)
      } else {
      }
      %add3A_287 = arith.constant 2 : i32
      %add3A_288 = arith.addi %add3A_136, %add3A_287 : i32
      %dma_wait3A_289 = arith.constant 0 : i32
      %dma_wait3A_290 = tpu.memref_slice %arg8[%add3A_288, %dma_wait3A_289] : memref<160x125xi32, #tpu.memory_space<vmem>> -> memref<1x125xi32, #tpu.memory_space<vmem>>
      %dma_wait3A_291 = tpu.memref_squeeze %dma_wait3A_290 : memref<1x125xi32, #tpu.memory_space<vmem>> -> memref<125xi32, #tpu.memory_space<vmem>>
      %dma_wait3A_292 = arith.constant 0 : i32
      %dma_wait3A_293 = arith.constant 0 : i32
      %dma_wait3A_294 = tpu.memref_slice %arg27[%dma_wait3A_292, %dma_wait3A_293] : memref<10000x64xf32, #tpu.memory_space<vmem_shared>> -> memref<10000x64xf32, #tpu.memory_space<vmem_shared>>
      tpu.wait_indirect_dma semaphore(%arg21 : memref<!tpu.dma_semaphore, #tpu.memory_space<semaphore_mem>>) src(%arg11 : memref<125x64xf32, #tpu.memory_space<vmem>>) dst(%dma_wait3A_294 : memref<10000x64xf32, #tpu.memory_space<vmem_shared>>)
      %add3A_295 = arith.constant 5 : i32
      %add3A_296 = arith.addi %add3A_288, %add3A_295 : i32
      %lt3A_297 = arith.constant 160 : i32
      %lt3A_298 = arith.cmpi slt, %add3A_296, %lt3A_297 : i32
      %convert_element_type3A_299 = arith.extui %lt3A_298 : i1 to i32
      %cond3A_300 = arith.constant 0 : i32
      %cond3A_301 = arith.cmpi ne, %convert_element_type3A_299, %cond3A_300 : i32
      scf.if %cond3A_301 {
        %add3A_332 = arith.constant 5 : i32
        %add3A_333 = arith.addi %add3A_288, %add3A_332 : i32
        %dma_start3A_334 = arith.constant 0 : i32
        %dma_start3A_335 = tpu.memref_slice %arg7[%add3A_333, %dma_start3A_334] : memref<160x125xi32, #tpu.memory_space<vmem>> -> memref<1x125xi32, #tpu.memory_space<vmem>>
        %dma_start3A_336 = tpu.memref_squeeze %dma_start3A_335 : memref<1x125xi32, #tpu.memory_space<vmem>> -> memref<125xi32, #tpu.memory_space<vmem>>
        %dma_start3A_337 = arith.constant 0 : i32
        %dma_start3A_338 = arith.constant 0 : i32
        %dma_start3A_339 = tpu.memref_slice %arg2[%dma_start3A_337, %dma_start3A_338] : memref<20000x64xf32, #tpu.memory_space<hbm>> -> memref<20000x64xf32, #tpu.memory_space<hbm>>
        tpu.enqueue_indirect_dma source(%dma_start3A_339 : memref<20000x64xf32, #tpu.memory_space<hbm>>) target(%arg11 : memref<125x64xf32, #tpu.memory_space<vmem>>) offsets(%dma_start3A_336 : memref<125xi32, #tpu.memory_space<vmem>>) semaphore(%arg16 : memref<!tpu.dma_semaphore, #tpu.memory_space<semaphore_mem>>)
      } else {
      }
      %add3A_302 = arith.constant 3 : i32
      %add3A_303 = arith.addi %add3A_136, %add3A_302 : i32
      %dma_wait3A_304 = arith.constant 0 : i32
      %dma_wait3A_305 = tpu.memref_slice %arg8[%add3A_303, %dma_wait3A_304] : memref<160x125xi32, #tpu.memory_space<vmem>> -> memref<1x125xi32, #tpu.memory_space<vmem>>
      %dma_wait3A_306 = tpu.memref_squeeze %dma_wait3A_305 : memref<1x125xi32, #tpu.memory_space<vmem>> -> memref<125xi32, #tpu.memory_space<vmem>>
      %dma_wait3A_307 = arith.constant 0 : i32
      %dma_wait3A_308 = arith.constant 0 : i32
      %dma_wait3A_309 = tpu.memref_slice %arg27[%dma_wait3A_307, %dma_wait3A_308] : memref<10000x64xf32, #tpu.memory_space<vmem_shared>> -> memref<10000x64xf32, #tpu.memory_space<vmem_shared>>
      tpu.wait_indirect_dma semaphore(%arg22 : memref<!tpu.dma_semaphore, #tpu.memory_space<semaphore_mem>>) src(%arg12 : memref<125x64xf32, #tpu.memory_space<vmem>>) dst(%dma_wait3A_309 : memref<10000x64xf32, #tpu.memory_space<vmem_shared>>)
      %add3A_310 = arith.constant 5 : i32
      %add3A_311 = arith.addi %add3A_303, %add3A_310 : i32
      %lt3A_312 = arith.constant 160 : i32
      %lt3A_313 = arith.cmpi slt, %add3A_311, %lt3A_312 : i32
      %convert_element_type3A_314 = arith.extui %lt3A_313 : i1 to i32
      %cond3A_315 = arith.constant 0 : i32
      %cond3A_316 = arith.cmpi ne, %convert_element_type3A_314, %cond3A_315 : i32
      scf.if %cond3A_316 {
        %add3A_332 = arith.constant 5 : i32
        %add3A_333 = arith.addi %add3A_303, %add3A_332 : i32
        %dma_start3A_334 = arith.constant 0 : i32
        %dma_start3A_335 = tpu.memref_slice %arg7[%add3A_333, %dma_start3A_334] : memref<160x125xi32, #tpu.memory_space<vmem>> -> memref<1x125xi32, #tpu.memory_space<vmem>>
        %dma_start3A_336 = tpu.memref_squeeze %dma_start3A_335 : memref<1x125xi32, #tpu.memory_space<vmem>> -> memref<125xi32, #tpu.memory_space<vmem>>
        %dma_start3A_337 = arith.constant 0 : i32
        %dma_start3A_338 = arith.constant 0 : i32
        %dma_start3A_339 = tpu.memref_slice %arg2[%dma_start3A_337, %dma_start3A_338] : memref<20000x64xf32, #tpu.memory_space<hbm>> -> memref<20000x64xf32, #tpu.memory_space<hbm>>
        tpu.enqueue_indirect_dma source(%dma_start3A_339 : memref<20000x64xf32, #tpu.memory_space<hbm>>) target(%arg12 : memref<125x64xf32, #tpu.memory_space<vmem>>) offsets(%dma_start3A_336 : memref<125xi32, #tpu.memory_space<vmem>>) semaphore(%arg17 : memref<!tpu.dma_semaphore, #tpu.memory_space<semaphore_mem>>)
      } else {
      }
      %add3A_317 = arith.constant 4 : i32
      %add3A_318 = arith.addi %add3A_136, %add3A_317 : i32
      %dma_wait3A_319 = arith.constant 0 : i32
      %dma_wait3A_320 = tpu.memref_slice %arg8[%add3A_318, %dma_wait3A_319] : memref<160x125xi32, #tpu.memory_space<vmem>> -> memref<1x125xi32, #tpu.memory_space<vmem>>
      %dma_wait3A_321 = tpu.memref_squeeze %dma_wait3A_320 : memref<1x125xi32, #tpu.memory_space<vmem>> -> memref<125xi32, #tpu.memory_space<vmem>>
      %dma_wait3A_322 = arith.constant 0 : i32
      %dma_wait3A_323 = arith.constant 0 : i32
      %dma_wait3A_324 = tpu.memref_slice %arg27[%dma_wait3A_322, %dma_wait3A_323] : memref<10000x64xf32, #tpu.memory_space<vmem_shared>> -> memref<10000x64xf32, #tpu.memory_space<vmem_shared>>
      tpu.wait_indirect_dma semaphore(%arg23 : memref<!tpu.dma_semaphore, #tpu.memory_space<semaphore_mem>>) src(%arg13 : memref<125x64xf32, #tpu.memory_space<vmem>>) dst(%dma_wait3A_324 : memref<10000x64xf32, #tpu.memory_space<vmem_shared>>)
      %add3A_325 = arith.constant 5 : i32
      %add3A_326 = arith.addi %add3A_318, %add3A_325 : i32
      %lt3A_327 = arith.constant 160 : i32
      %lt3A_328 = arith.cmpi slt, %add3A_326, %lt3A_327 : i32
      %convert_element_type3A_329 = arith.extui %lt3A_328 : i1 to i32
      %cond3A_330 = arith.constant 0 : i32
      %cond3A_331 = arith.cmpi ne, %convert_element_type3A_329, %cond3A_330 : i32
      scf.if %cond3A_331 {
        %add3A_332 = arith.constant 5 : i32
        %add3A_333 = arith.addi %add3A_318, %add3A_332 : i32
        %dma_start3A_334 = arith.constant 0 : i32
        %dma_start3A_335 = tpu.memref_slice %arg7[%add3A_333, %dma_start3A_334] : memref<160x125xi32, #tpu.memory_space<vmem>> -> memref<1x125xi32, #tpu.memory_space<vmem>>
        %dma_start3A_336 = tpu.memref_squeeze %dma_start3A_335 : memref<1x125xi32, #tpu.memory_space<vmem>> -> memref<125xi32, #tpu.memory_space<vmem>>
        %dma_start3A_337 = arith.constant 0 : i32
        %dma_start3A_338 = arith.constant 0 : i32
        %dma_start3A_339 = tpu.memref_slice %arg2[%dma_start3A_337, %dma_start3A_338] : memref<20000x64xf32, #tpu.memory_space<hbm>> -> memref<20000x64xf32, #tpu.memory_space<hbm>>
        tpu.enqueue_indirect_dma source(%dma_start3A_339 : memref<20000x64xf32, #tpu.memory_space<hbm>>) target(%arg13 : memref<125x64xf32, #tpu.memory_space<vmem>>) offsets(%dma_start3A_336 : memref<125xi32, #tpu.memory_space<vmem>>) semaphore(%arg18 : memref<!tpu.dma_semaphore, #tpu.memory_space<semaphore_mem>>)
      } else {
      }
    }
    %scan3A_110 = arith.constant 32 : i32
    %scan3A_111 = arith.constant 0 : i32
    %scan3A_112 = arith.constant 80 : i32
    %scan3A_113 = arith.addi %scan3A_111, %scan3A_112 : i32
    %scan3A_114 = arith.constant 1 : i32
    scf.for %scan3A_133 = %scan3A_111 to %scan3A_113 step %scan3A_114  : i32 {
      %mul3A_134 = arith.constant 1 : i32
      %mul3A_135 = arith.muli %scan3A_133, %mul3A_134 : i32
      %add3A = arith.constant 0 : i32
      %add3A_136 = arith.addi %add3A, %mul3A_135 : i32
      %dma_wait3A_137 = arith.constant 0 : i32
      %dma_wait3A_138 = arith.constant 0 : i32
      %dma_wait3A_139 = tpu.memref_slice %arg29[%dma_wait3A_138] : memref<128xf32, #tpu.memory_space<vmem>> -> memref<125xf32, #tpu.memory_space<vmem>>
      %dma_wait3A_140 = arith.constant 0 : i32
      %dma_wait3A_141 = tpu.memref_slice %arg8[%dma_wait3A_137, %dma_wait3A_140] : memref<160x125xi32, #tpu.memory_space<vmem>> -> memref<1x125xi32, #tpu.memory_space<vmem>>
      %dma_wait3A_142 = tpu.memref_squeeze %dma_wait3A_141 : memref<1x125xi32, #tpu.memory_space<vmem>> -> memref<125xi32, #tpu.memory_space<vmem>>
      %dma_wait3A_143 = arith.constant 0 : i32
      %dma_wait3A_144 = tpu.memref_slice %arg31[%dma_wait3A_143] : memref<10000xf32, #tpu.memory_space<vmem_shared>> -> memref<10000xf32, #tpu.memory_space<vmem_shared>>
      tpu.wait_indirect_dma semaphore(%arg30 : memref<!tpu.dma_semaphore, #tpu.memory_space<semaphore_mem>>) src(%dma_wait3A_139 : memref<125xf32, #tpu.memory_space<vmem>>) dst(%dma_wait3A_144 : memref<10000xf32, #tpu.memory_space<vmem_shared>>)
    }
    %scan3A_115 = arith.constant 80 : i32
    %barrier3A_116 = arith.constant 0 : index
    tpu.barrier barrier_id(%barrier3A_116)
    %mul3A = arith.constant 64 : i32
    %mul3A_117 = arith.muli %arg0, %mul3A : i32
    %lt3A_118 = arith.constant 15 : i32
    %lt3A_119 = arith.cmpi slt, %arg1, %lt3A_118 : i32
    %convert_element_type3A_120 = arith.extui %lt3A_119 : i1 to i32
    %cond3A_121 = arith.constant 0 : i32
    %cond3A_122 = arith.cmpi ne, %convert_element_type3A_120, %cond3A_121 : i32
    scf.if %cond3A_122 {
      %mul3A_133 = arith.constant 640 : i32
      %mul3A_134 = arith.muli %arg1, %mul3A_133 : i32
      %mul3A_135 = arith.constant 640 : i32
      %mul3A_136 = arith.muli %arg1, %mul3A_135 : i32
      "tpu.region"() ({
        %run_scoped3A = tpu.sem_alloc : memref<!tpu.dma_semaphore, #tpu.memory_space<semaphore_mem>>
        %dma_start3A_137 = tpu.memref_slice %arg5[%mul3A_136, %mul3A_117] : memref<10000x128xf32, #tpu.memory_space<hbm>> -> memref<640x64xf32, #tpu.memory_space<hbm>>
        %dma_start3A_138 = arith.constant 0 : i32
        %dma_start3A_139 = tpu.memref_slice %arg27[%mul3A_134, %dma_start3A_138] : memref<10000x64xf32, #tpu.memory_space<vmem_shared>> -> memref<640x64xf32, #tpu.memory_space<vmem_shared>>
        tpu.enqueue_dma source(%dma_start3A_139 : memref<640x64xf32, #tpu.memory_space<vmem_shared>>) target(%dma_start3A_137 : memref<640x64xf32, #tpu.memory_space<hbm>>) target_semaphore(%run_scoped3A : memref<!tpu.dma_semaphore, #tpu.memory_space<semaphore_mem>>)
        %dma_wait3A_140 = tpu.memref_slice %arg5[%mul3A_136, %mul3A_117] : memref<10000x128xf32, #tpu.memory_space<hbm>> -> memref<640x64xf32, #tpu.memory_space<hbm>>
        %dma_wait3A_141 = arith.constant 0 : i32
        %dma_wait3A_142 = tpu.memref_slice %arg27[%mul3A_134, %dma_wait3A_141] : memref<10000x64xf32, #tpu.memory_space<vmem_shared>> -> memref<640x64xf32, #tpu.memory_space<vmem_shared>>
        tpu.wait_dma2 semaphore(%run_scoped3A : memref<!tpu.dma_semaphore, #tpu.memory_space<semaphore_mem>>) src(%dma_wait3A_142 : memref<640x64xf32, #tpu.memory_space<vmem_shared>>) dst(%dma_wait3A_140 : memref<640x64xf32, #tpu.memory_space<hbm>>)
        tpu.yield
      }) : () -> ()
    } else {
    }
    %eq3A_123 = arith.constant 15 : i32
    %eq3A_124 = arith.cmpi eq, %arg1, %eq3A_123 : i32
    %convert_element_type3A_125 = arith.extui %eq3A_124 : i1 to i32
    %cond3A_126 = arith.constant 0 : i32
    %cond3A_127 = arith.cmpi ne, %convert_element_type3A_125, %cond3A_126 : i32
    scf.if %cond3A_127 {
      "tpu.region"() ({
        %run_scoped3A = tpu.sem_alloc : memref<!tpu.dma_semaphore, #tpu.memory_space<semaphore_mem>>
        %dma_start3A_133 = arith.constant 9600 : i32
        %dma_start3A_134 = tpu.memref_slice %arg5[%dma_start3A_133, %mul3A_117] : memref<10000x128xf32, #tpu.memory_space<hbm>> -> memref<400x64xf32, #tpu.memory_space<hbm>>
        %dma_start3A_135 = arith.constant 9600 : i32
        %dma_start3A_136 = arith.constant 0 : i32
        %dma_start3A_137 = tpu.memref_slice %arg27[%dma_start3A_135, %dma_start3A_136] : memref<10000x64xf32, #tpu.memory_space<vmem_shared>> -> memref<400x64xf32, #tpu.memory_space<vmem_shared>>
        tpu.enqueue_dma source(%dma_start3A_137 : memref<400x64xf32, #tpu.memory_space<vmem_shared>>) target(%dma_start3A_134 : memref<400x64xf32, #tpu.memory_space<hbm>>) target_semaphore(%run_scoped3A : memref<!tpu.dma_semaphore, #tpu.memory_space<semaphore_mem>>)
        %dma_wait3A_138 = arith.constant 9600 : i32
        %dma_wait3A_139 = tpu.memref_slice %arg5[%dma_wait3A_138, %mul3A_117] : memref<10000x128xf32, #tpu.memory_space<hbm>> -> memref<400x64xf32, #tpu.memory_space<hbm>>
        %dma_wait3A_140 = arith.constant 9600 : i32
        %dma_wait3A_141 = arith.constant 0 : i32
        %dma_wait3A_142 = tpu.memref_slice %arg27[%dma_wait3A_140, %dma_wait3A_141] : memref<10000x64xf32, #tpu.memory_space<vmem_shared>> -> memref<400x64xf32, #tpu.memory_space<vmem_shared>>
        tpu.wait_dma2 semaphore(%run_scoped3A : memref<!tpu.dma_semaphore, #tpu.memory_space<semaphore_mem>>) src(%dma_wait3A_142 : memref<400x64xf32, #tpu.memory_space<vmem_shared>>) dst(%dma_wait3A_139 : memref<400x64xf32, #tpu.memory_space<hbm>>)
        tpu.yield
      }) : () -> ()
    } else {
    }
    %eq3A_128 = arith.constant 0 : i32
    %eq3A_129 = arith.cmpi eq, %arg1, %eq3A_128 : i32
    %convert_element_type3A_130 = arith.extui %eq3A_129 : i1 to i32
    %cond3A_131 = arith.constant 0 : i32
    %cond3A_132 = arith.cmpi ne, %convert_element_type3A_130, %cond3A_131 : i32
    scf.if %cond3A_132 {
      "tpu.region"() ({
        %run_scoped3A = tpu.sem_alloc : memref<!tpu.dma_semaphore, #tpu.memory_space<semaphore_mem>>
        %dma_start3A_133 = arith.constant 0 : i32
        %dma_start3A_134 = tpu.memref_slice %arg6[%arg0, %dma_start3A_133] : memref<2x10000xf32, #tpu.memory_space<hbm>> -> memref<1x10000xf32, #tpu.memory_space<hbm>>
        %dma_start3A_135 = tpu.memref_squeeze %dma_start3A_134 : memref<1x10000xf32, #tpu.memory_space<hbm>> -> memref<10000xf32, #tpu.memory_space<hbm>>
        tpu.enqueue_dma source(%arg31 : memref<10000xf32, #tpu.memory_space<vmem_shared>>) target(%dma_start3A_135 : memref<10000xf32, #tpu.memory_space<hbm>>) target_semaphore(%run_scoped3A : memref<!tpu.dma_semaphore, #tpu.memory_space<semaphore_mem>>)
        %dma_wait3A_136 = arith.constant 0 : i32
        %dma_wait3A_137 = tpu.memref_slice %arg6[%arg0, %dma_wait3A_136] : memref<2x10000xf32, #tpu.memory_space<hbm>> -> memref<1x10000xf32, #tpu.memory_space<hbm>>
        %dma_wait3A_138 = tpu.memref_squeeze %dma_wait3A_137 : memref<1x10000xf32, #tpu.memory_space<hbm>> -> memref<10000xf32, #tpu.memory_space<hbm>>
        tpu.wait_dma2 semaphore(%run_scoped3A : memref<!tpu.dma_semaphore, #tpu.memory_space<semaphore_mem>>) src(%arg31 : memref<10000xf32, #tpu.memory_space<vmem_shared>>) dst(%dma_wait3A_138 : memref<10000xf32, #tpu.memory_space<hbm>>)
        tpu.yield
      }) : () -> ()
    } else {
    }
    return
  }
}

#map = affine_map<(d0, d1) -> (0, 0)>
#map1 = affine_map<(d0, d1) -> (0, 0, 0, 0)>
#map2 = affine_map<(d0, d1) -> (0, 0, 0)>
module attributes {stable_mosaic.version = 14 : i64} {
  func.func @sc_pass(%arg0: i32, %arg1: i32, %arg2: memref<20000x64xf32, #tpu.memory_space<hbm>>, %arg3: memref<2x16x160x125xi32, #tpu.memory_space<hbm>>, %arg4: memref<16x160x125xi32, #tpu.memory_space<hbm>>, %arg5: memref<10000x128xf32, #tpu.memory_space<hbm>>, %arg6: memref<160x125xi32, #tpu.memory_space<vmem>>, %arg7: memref<160x125xi32, #tpu.memory_space<vmem>>, %arg8: memref<125x64xf32, #tpu.memory_space<vmem>>, %arg9: memref<125x64xf32, #tpu.memory_space<vmem>>, %arg10: memref<125x64xf32, #tpu.memory_space<vmem>>, %arg11: memref<125x64xf32, #tpu.memory_space<vmem>>, %arg12: memref<125x64xf32, #tpu.memory_space<vmem>>, %arg13: memref<!tpu.dma_semaphore, #tpu.memory_space<semaphore_mem>>, %arg14: memref<!tpu.dma_semaphore, #tpu.memory_space<semaphore_mem>>, %arg15: memref<!tpu.dma_semaphore, #tpu.memory_space<semaphore_mem>>, %arg16: memref<!tpu.dma_semaphore, #tpu.memory_space<semaphore_mem>>, %arg17: memref<!tpu.dma_semaphore, #tpu.memory_space<semaphore_mem>>, %arg18: memref<!tpu.dma_semaphore, #tpu.memory_space<semaphore_mem>>, %arg19: memref<!tpu.dma_semaphore, #tpu.memory_space<semaphore_mem>>, %arg20: memref<!tpu.dma_semaphore, #tpu.memory_space<semaphore_mem>>, %arg21: memref<!tpu.dma_semaphore, #tpu.memory_space<semaphore_mem>>, %arg22: memref<!tpu.dma_semaphore, #tpu.memory_space<semaphore_mem>>, %arg23: memref<!tpu.dma_semaphore, #tpu.memory_space<semaphore_mem>>, %arg24: memref<!tpu.dma_semaphore, #tpu.memory_space<semaphore_mem>>, %arg25: memref<80x64xf32, #tpu.memory_space<vmem>>, %arg26: memref<10000x64xf32, #tpu.memory_space<vmem_shared>>) attributes {dimension_semantics = [#tpu.dimension_semantics<core_parallel>, #tpu.dimension_semantics<subcore_parallel>], iteration_bounds = array<i64: 2, 16>, scalar_prefetch = 0 : i64, scratch_operands = 21 : i64, tpu.core_type = #tpu.core_type<sc_vector_subcore>, window_params = [{transform_indices = #map}, {transform_indices = #map1}, {transform_indices = #map2}, {transform_indices = #map}]} {
    %dma_start3A = arith.constant 0 : i32
    %dma_start3A_0 = arith.constant 0 : i32
    %dma_start3A_1 = tpu.memref_slice %arg3[%arg0, %arg1, %dma_start3A, %dma_start3A_0] : memref<2x16x160x125xi32, #tpu.memory_space<hbm>> -> memref<1x1x160x125xi32, #tpu.memory_space<hbm>>
    %dma_start3A_2 = tpu.memref_squeeze %dma_start3A_1 : memref<1x1x160x125xi32, #tpu.memory_space<hbm>> -> memref<160x125xi32, #tpu.memory_space<hbm>>
    %dma_start3A_3 = arith.constant 0 : i32
    %dma_start3A_4 = arith.constant 0 : i32
    %dma_start3A_5 = tpu.memref_slice %arg3[%arg0, %arg1, %dma_start3A_3, %dma_start3A_4] : memref<2x16x160x125xi32, #tpu.memory_space<hbm>> -> memref<1x1x160x125xi32, #tpu.memory_space<hbm>>
    %dma_start3A_6 = tpu.memref_squeeze %dma_start3A_5 : memref<1x1x160x125xi32, #tpu.memory_space<hbm>> -> memref<160x125xi32, #tpu.memory_space<hbm>>
    tpu.enqueue_dma source(%dma_start3A_6 : memref<160x125xi32, #tpu.memory_space<hbm>>) target(%arg6 : memref<160x125xi32, #tpu.memory_space<vmem>>) target_semaphore(%arg23 : memref<!tpu.dma_semaphore, #tpu.memory_space<semaphore_mem>>)
    %dma_start3A_7 = arith.constant 0 : i32
    %dma_start3A_8 = arith.constant 0 : i32
    %dma_start3A_9 = tpu.memref_slice %arg4[%arg1, %dma_start3A_7, %dma_start3A_8] : memref<16x160x125xi32, #tpu.memory_space<hbm>> -> memref<1x160x125xi32, #tpu.memory_space<hbm>>
    %dma_start3A_10 = tpu.memref_squeeze %dma_start3A_9 : memref<1x160x125xi32, #tpu.memory_space<hbm>> -> memref<160x125xi32, #tpu.memory_space<hbm>>
    %dma_start3A_11 = arith.constant 0 : i32
    %dma_start3A_12 = arith.constant 0 : i32
    %dma_start3A_13 = tpu.memref_slice %arg4[%arg1, %dma_start3A_11, %dma_start3A_12] : memref<16x160x125xi32, #tpu.memory_space<hbm>> -> memref<1x160x125xi32, #tpu.memory_space<hbm>>
    %dma_start3A_14 = tpu.memref_squeeze %dma_start3A_13 : memref<1x160x125xi32, #tpu.memory_space<hbm>> -> memref<160x125xi32, #tpu.memory_space<hbm>>
    tpu.enqueue_dma source(%dma_start3A_14 : memref<160x125xi32, #tpu.memory_space<hbm>>) target(%arg7 : memref<160x125xi32, #tpu.memory_space<vmem>>) target_semaphore(%arg23 : memref<!tpu.dma_semaphore, #tpu.memory_space<semaphore_mem>>)
    %broadcast_in_dim3A = arith.constant 0.000000e+00 : f32
    %broadcast_in_dim3A_15 = vector.broadcast %broadcast_in_dim3A : f32 to vector<16xf32>
    %scan3A = arith.constant 0 : i32
    %scan3A_16 = arith.constant 80 : i32
    %scan3A_17 = arith.addi %scan3A, %scan3A_16 : i32
    %scan3A_18 = arith.constant 1 : i32
    scf.for %scan3A_103 = %scan3A to %scan3A_17 step %scan3A_18  : i32 {
      %mul3A_104 = arith.constant 1 : i32
      %mul3A_105 = arith.muli %scan3A_103, %mul3A_104 : i32
      %add3A = arith.constant 0 : i32
      %add3A_106 = arith.addi %add3A, %mul3A_105 : i32
      %scan3A_107 = arith.constant 0 : i32
      %scan3A_108 = arith.constant 4 : i32
      %scan3A_109 = arith.addi %scan3A_107, %scan3A_108 : i32
      %scan3A_110 = arith.constant 1 : i32
      scf.for %scan3A_112 = %scan3A_107 to %scan3A_109 step %scan3A_110  : i32 {
        %mul3A_113 = arith.constant 1 : i32
        %mul3A_114 = arith.muli %scan3A_112, %mul3A_113 : i32
        %add3A_115 = arith.constant 0 : i32
        %add3A_116 = arith.addi %add3A_115, %mul3A_114 : i32
        %mul3A_117 = arith.constant 16 : i32
        %mul3A_118 = arith.muli %add3A_116, %mul3A_117 : i32
        %swap3A = arith.index_cast %add3A_106 : i32 to index
        %swap3A_119 = arith.index_cast %mul3A_118 : i32 to index
        %swap3A_120 = tpu.vector_load %arg25[%swap3A, %swap3A_119] {strides = array<i32>} : memref<80x64xf32, #tpu.memory_space<vmem>>, vector<1x16xf32>,
        %swap3A_121 = vector.shape_cast %swap3A_120 : vector<1x16xf32> to vector<16xf32>
        %swap3A_122 = vector.shape_cast %broadcast_in_dim3A_15 : vector<16xf32> to vector<1x16xf32>
        tpu.vector_store %arg25[%swap3A, %swap3A_119], %swap3A_122 {strides = array<i32>} : memref<80x64xf32, #tpu.memory_space<vmem>>, vector<1x16xf32>,
      }
      %scan3A_111 = arith.constant 4 : i32
    }
    %scan3A_19 = arith.constant 80 : i32
    %lt3A = arith.constant 15 : i32
    %lt3A_20 = arith.cmpi slt, %arg1, %lt3A : i32
    %convert_element_type3A = arith.extui %lt3A_20 : i1 to i32
    %cond3A = arith.constant 0 : i32
    %cond3A_21 = arith.cmpi ne, %convert_element_type3A, %cond3A : i32
    scf.if %cond3A_21 {
      %scan3A_103 = arith.constant 0 : i32
      %scan3A_104 = arith.constant 8 : i32
      %scan3A_105 = arith.addi %scan3A_103, %scan3A_104 : i32
      %scan3A_106 = arith.constant 1 : i32
      scf.for %scan3A_108 = %scan3A_103 to %scan3A_105 step %scan3A_106  : i32 {
        %mul3A_109 = arith.constant 1 : i32
        %mul3A_110 = arith.muli %scan3A_108, %mul3A_109 : i32
        %add3A = arith.constant 0 : i32
        %add3A_111 = arith.addi %add3A, %mul3A_110 : i32
        %mul3A_112 = arith.constant 640 : i32
        %mul3A_113 = arith.muli %arg1, %mul3A_112 : i32
        %mul3A_114 = arith.constant 80 : i32
        %mul3A_115 = arith.muli %add3A_111, %mul3A_114 : i32
        %add3A_116 = arith.addi %mul3A_113, %mul3A_115 : i32
        %dma_start3A_117 = arith.constant 0 : i32
        %dma_start3A_118 = tpu.memref_slice %arg26[%add3A_116, %dma_start3A_117] : memref<10000x64xf32, #tpu.memory_space<vmem_shared>> -> memref<80x64xf32, #tpu.memory_space<vmem_shared>>
        %dma_start3A_119 = arith.constant 0 : i32
        %dma_start3A_120 = tpu.memref_slice %arg26[%add3A_116, %dma_start3A_119] : memref<10000x64xf32, #tpu.memory_space<vmem_shared>> -> memref<80x64xf32, #tpu.memory_space<vmem_shared>>
        tpu.enqueue_dma source(%arg25 : memref<80x64xf32, #tpu.memory_space<vmem>>) target(%dma_start3A_120 : memref<80x64xf32, #tpu.memory_space<vmem_shared>>) target_semaphore(%arg24 : memref<!tpu.dma_semaphore, #tpu.memory_space<semaphore_mem>>)
      }
      %scan3A_107 = arith.constant 8 : i32
    } else {
    }
    %eq3A = arith.constant 15 : i32
    %eq3A_22 = arith.cmpi eq, %arg1, %eq3A : i32
    %convert_element_type3A_23 = arith.extui %eq3A_22 : i1 to i32
    %cond3A_24 = arith.constant 0 : i32
    %cond3A_25 = arith.cmpi ne, %convert_element_type3A_23, %cond3A_24 : i32
    scf.if %cond3A_25 {
      %scan3A_103 = arith.constant 0 : i32
      %scan3A_104 = arith.constant 5 : i32
      %scan3A_105 = arith.addi %scan3A_103, %scan3A_104 : i32
      %scan3A_106 = arith.constant 1 : i32
      scf.for %scan3A_108 = %scan3A_103 to %scan3A_105 step %scan3A_106  : i32 {
        %mul3A_109 = arith.constant 1 : i32
        %mul3A_110 = arith.muli %scan3A_108, %mul3A_109 : i32
        %add3A = arith.constant 0 : i32
        %add3A_111 = arith.addi %add3A, %mul3A_110 : i32
        %mul3A_112 = arith.constant 80 : i32
        %mul3A_113 = arith.muli %add3A_111, %mul3A_112 : i32
        %add3A_114 = arith.constant 9600 : i32
        %add3A_115 = arith.addi %add3A_114, %mul3A_113 : i32
        %dma_start3A_116 = arith.constant 0 : i32
        %dma_start3A_117 = tpu.memref_slice %arg26[%add3A_115, %dma_start3A_116] : memref<10000x64xf32, #tpu.memory_space<vmem_shared>> -> memref<80x64xf32, #tpu.memory_space<vmem_shared>>
        %dma_start3A_118 = arith.constant 0 : i32
        %dma_start3A_119 = tpu.memref_slice %arg26[%add3A_115, %dma_start3A_118] : memref<10000x64xf32, #tpu.memory_space<vmem_shared>> -> memref<80x64xf32, #tpu.memory_space<vmem_shared>>
        tpu.enqueue_dma source(%arg25 : memref<80x64xf32, #tpu.memory_space<vmem>>) target(%dma_start3A_119 : memref<80x64xf32, #tpu.memory_space<vmem_shared>>) target_semaphore(%arg24 : memref<!tpu.dma_semaphore, #tpu.memory_space<semaphore_mem>>)
      }
      %scan3A_107 = arith.constant 5 : i32
    } else {
    }
    %dma_wait3A = arith.constant 0 : i32
    %dma_wait3A_26 = arith.constant 0 : i32
    %dma_wait3A_27 = tpu.memref_slice %arg3[%arg0, %arg1, %dma_wait3A, %dma_wait3A_26] : memref<2x16x160x125xi32, #tpu.memory_space<hbm>> -> memref<1x1x160x125xi32, #tpu.memory_space<hbm>>
    %dma_wait3A_28 = tpu.memref_squeeze %dma_wait3A_27 : memref<1x1x160x125xi32, #tpu.memory_space<hbm>> -> memref<160x125xi32, #tpu.memory_space<hbm>>
    %dma_wait3A_29 = arith.constant 0 : i32
    %dma_wait3A_30 = arith.constant 0 : i32
    %dma_wait3A_31 = tpu.memref_slice %arg3[%arg0, %arg1, %dma_wait3A_29, %dma_wait3A_30] : memref<2x16x160x125xi32, #tpu.memory_space<hbm>> -> memref<1x1x160x125xi32, #tpu.memory_space<hbm>>
    %dma_wait3A_32 = tpu.memref_squeeze %dma_wait3A_31 : memref<1x1x160x125xi32, #tpu.memory_space<hbm>> -> memref<160x125xi32, #tpu.memory_space<hbm>>
    tpu.wait_dma2 semaphore(%arg23 : memref<!tpu.dma_semaphore, #tpu.memory_space<semaphore_mem>>) src(%dma_wait3A_32 : memref<160x125xi32, #tpu.memory_space<hbm>>) dst(%arg6 : memref<160x125xi32, #tpu.memory_space<vmem>>)
    %dma_wait3A_33 = arith.constant 0 : i32
    %dma_wait3A_34 = arith.constant 0 : i32
    %dma_wait3A_35 = tpu.memref_slice %arg4[%arg1, %dma_wait3A_33, %dma_wait3A_34] : memref<16x160x125xi32, #tpu.memory_space<hbm>> -> memref<1x160x125xi32, #tpu.memory_space<hbm>>
    %dma_wait3A_36 = tpu.memref_squeeze %dma_wait3A_35 : memref<1x160x125xi32, #tpu.memory_space<hbm>> -> memref<160x125xi32, #tpu.memory_space<hbm>>
    %dma_wait3A_37 = arith.constant 0 : i32
    %dma_wait3A_38 = arith.constant 0 : i32
    %dma_wait3A_39 = tpu.memref_slice %arg4[%arg1, %dma_wait3A_37, %dma_wait3A_38] : memref<16x160x125xi32, #tpu.memory_space<hbm>> -> memref<1x160x125xi32, #tpu.memory_space<hbm>>
    %dma_wait3A_40 = tpu.memref_squeeze %dma_wait3A_39 : memref<1x160x125xi32, #tpu.memory_space<hbm>> -> memref<160x125xi32, #tpu.memory_space<hbm>>
    tpu.wait_dma2 semaphore(%arg23 : memref<!tpu.dma_semaphore, #tpu.memory_space<semaphore_mem>>) src(%dma_wait3A_40 : memref<160x125xi32, #tpu.memory_space<hbm>>) dst(%arg7 : memref<160x125xi32, #tpu.memory_space<vmem>>)
    %lt3A_41 = arith.constant 15 : i32
    %lt3A_42 = arith.cmpi slt, %arg1, %lt3A_41 : i32
    %convert_element_type3A_43 = arith.extui %lt3A_42 : i1 to i32
    %cond3A_44 = arith.constant 0 : i32
    %cond3A_45 = arith.cmpi ne, %convert_element_type3A_43, %cond3A_44 : i32
    scf.if %cond3A_45 {
      %scan3A_103 = arith.constant 0 : i32
      %scan3A_104 = arith.constant 8 : i32
      %scan3A_105 = arith.addi %scan3A_103, %scan3A_104 : i32
      %scan3A_106 = arith.constant 1 : i32
      scf.for %scan3A_108 = %scan3A_103 to %scan3A_105 step %scan3A_106  : i32 {
        %mul3A_109 = arith.constant 1 : i32
        %mul3A_110 = arith.muli %scan3A_108, %mul3A_109 : i32
        %add3A = arith.constant 0 : i32
        %add3A_111 = arith.addi %add3A, %mul3A_110 : i32
        %mul3A_112 = arith.constant 640 : i32
        %mul3A_113 = arith.muli %arg1, %mul3A_112 : i32
        %mul3A_114 = arith.constant 80 : i32
        %mul3A_115 = arith.muli %add3A_111, %mul3A_114 : i32
        %add3A_116 = arith.addi %mul3A_113, %mul3A_115 : i32
        %dma_wait3A_117 = arith.constant 0 : i32
        %dma_wait3A_118 = tpu.memref_slice %arg26[%add3A_116, %dma_wait3A_117] : memref<10000x64xf32, #tpu.memory_space<vmem_shared>> -> memref<80x64xf32, #tpu.memory_space<vmem_shared>>
        %dma_wait3A_119 = arith.constant 0 : i32
        %dma_wait3A_120 = tpu.memref_slice %arg26[%add3A_116, %dma_wait3A_119] : memref<10000x64xf32, #tpu.memory_space<vmem_shared>> -> memref<80x64xf32, #tpu.memory_space<vmem_shared>>
        tpu.wait_dma2 semaphore(%arg24 : memref<!tpu.dma_semaphore, #tpu.memory_space<semaphore_mem>>) src(%arg25 : memref<80x64xf32, #tpu.memory_space<vmem>>) dst(%dma_wait3A_120 : memref<80x64xf32, #tpu.memory_space<vmem_shared>>)
      }
      %scan3A_107 = arith.constant 8 : i32
    } else {
    }
    %eq3A_46 = arith.constant 15 : i32
    %eq3A_47 = arith.cmpi eq, %arg1, %eq3A_46 : i32
    %convert_element_type3A_48 = arith.extui %eq3A_47 : i1 to i32
    %cond3A_49 = arith.constant 0 : i32
    %cond3A_50 = arith.cmpi ne, %convert_element_type3A_48, %cond3A_49 : i32
    scf.if %cond3A_50 {
      %scan3A_103 = arith.constant 0 : i32
      %scan3A_104 = arith.constant 5 : i32
      %scan3A_105 = arith.addi %scan3A_103, %scan3A_104 : i32
      %scan3A_106 = arith.constant 1 : i32
      scf.for %scan3A_108 = %scan3A_103 to %scan3A_105 step %scan3A_106  : i32 {
        %mul3A_109 = arith.constant 1 : i32
        %mul3A_110 = arith.muli %scan3A_108, %mul3A_109 : i32
        %add3A = arith.constant 0 : i32
        %add3A_111 = arith.addi %add3A, %mul3A_110 : i32
        %mul3A_112 = arith.constant 80 : i32
        %mul3A_113 = arith.muli %add3A_111, %mul3A_112 : i32
        %add3A_114 = arith.constant 9600 : i32
        %add3A_115 = arith.addi %add3A_114, %mul3A_113 : i32
        %dma_wait3A_116 = arith.constant 0 : i32
        %dma_wait3A_117 = tpu.memref_slice %arg26[%add3A_115, %dma_wait3A_116] : memref<10000x64xf32, #tpu.memory_space<vmem_shared>> -> memref<80x64xf32, #tpu.memory_space<vmem_shared>>
        %dma_wait3A_118 = arith.constant 0 : i32
        %dma_wait3A_119 = tpu.memref_slice %arg26[%add3A_115, %dma_wait3A_118] : memref<10000x64xf32, #tpu.memory_space<vmem_shared>> -> memref<80x64xf32, #tpu.memory_space<vmem_shared>>
        tpu.wait_dma2 semaphore(%arg24 : memref<!tpu.dma_semaphore, #tpu.memory_space<semaphore_mem>>) src(%arg25 : memref<80x64xf32, #tpu.memory_space<vmem>>) dst(%dma_wait3A_119 : memref<80x64xf32, #tpu.memory_space<vmem_shared>>)
      }
      %scan3A_107 = arith.constant 5 : i32
    } else {
    }
    %barrier3A = arith.constant 0 : index
    tpu.barrier barrier_id(%barrier3A)
    %dma_start3A_51 = arith.constant 0 : i32
    %dma_start3A_52 = arith.constant 0 : i32
    %dma_start3A_53 = tpu.memref_slice %arg6[%dma_start3A_51, %dma_start3A_52] : memref<160x125xi32, #tpu.memory_space<vmem>> -> memref<1x125xi32, #tpu.memory_space<vmem>>
    %dma_start3A_54 = tpu.memref_squeeze %dma_start3A_53 : memref<1x125xi32, #tpu.memory_space<vmem>> -> memref<125xi32, #tpu.memory_space<vmem>>
    %dma_start3A_55 = arith.constant 0 : i32
    %dma_start3A_56 = arith.constant 0 : i32
    %dma_start3A_57 = tpu.memref_slice %arg2[%dma_start3A_55, %dma_start3A_56] : memref<20000x64xf32, #tpu.memory_space<hbm>> -> memref<20000x64xf32, #tpu.memory_space<hbm>>
    tpu.enqueue_indirect_dma source(%dma_start3A_57 : memref<20000x64xf32, #tpu.memory_space<hbm>>) target(%arg8 : memref<125x64xf32, #tpu.memory_space<vmem>>) offsets(%dma_start3A_54 : memref<125xi32, #tpu.memory_space<vmem>>) semaphore(%arg13 : memref<!tpu.dma_semaphore, #tpu.memory_space<semaphore_mem>>)
    %dma_start3A_58 = arith.constant 1 : i32
    %dma_start3A_59 = arith.constant 0 : i32
    %dma_start3A_60 = tpu.memref_slice %arg6[%dma_start3A_58, %dma_start3A_59] : memref<160x125xi32, #tpu.memory_space<vmem>> -> memref<1x125xi32, #tpu.memory_space<vmem>>
    %dma_start3A_61 = tpu.memref_squeeze %dma_start3A_60 : memref<1x125xi32, #tpu.memory_space<vmem>> -> memref<125xi32, #tpu.memory_space<vmem>>
    %dma_start3A_62 = arith.constant 0 : i32
    %dma_start3A_63 = arith.constant 0 : i32
    %dma_start3A_64 = tpu.memref_slice %arg2[%dma_start3A_62, %dma_start3A_63] : memref<20000x64xf32, #tpu.memory_space<hbm>> -> memref<20000x64xf32, #tpu.memory_space<hbm>>
    tpu.enqueue_indirect_dma source(%dma_start3A_64 : memref<20000x64xf32, #tpu.memory_space<hbm>>) target(%arg9 : memref<125x64xf32, #tpu.memory_space<vmem>>) offsets(%dma_start3A_61 : memref<125xi32, #tpu.memory_space<vmem>>) semaphore(%arg14 : memref<!tpu.dma_semaphore, #tpu.memory_space<semaphore_mem>>)
    %dma_start3A_65 = arith.constant 2 : i32
    %dma_start3A_66 = arith.constant 0 : i32
    %dma_start3A_67 = tpu.memref_slice %arg6[%dma_start3A_65, %dma_start3A_66] : memref<160x125xi32, #tpu.memory_space<vmem>> -> memref<1x125xi32, #tpu.memory_space<vmem>>
    %dma_start3A_68 = tpu.memref_squeeze %dma_start3A_67 : memref<1x125xi32, #tpu.memory_space<vmem>> -> memref<125xi32, #tpu.memory_space<vmem>>
    %dma_start3A_69 = arith.constant 0 : i32
    %dma_start3A_70 = arith.constant 0 : i32
    %dma_start3A_71 = tpu.memref_slice %arg2[%dma_start3A_69, %dma_start3A_70] : memref<20000x64xf32, #tpu.memory_space<hbm>> -> memref<20000x64xf32, #tpu.memory_space<hbm>>
    tpu.enqueue_indirect_dma source(%dma_start3A_71 : memref<20000x64xf32, #tpu.memory_space<hbm>>) target(%arg10 : memref<125x64xf32, #tpu.memory_space<vmem>>) offsets(%dma_start3A_68 : memref<125xi32, #tpu.memory_space<vmem>>) semaphore(%arg15 : memref<!tpu.dma_semaphore, #tpu.memory_space<semaphore_mem>>)
    %dma_start3A_72 = arith.constant 3 : i32
    %dma_start3A_73 = arith.constant 0 : i32
    %dma_start3A_74 = tpu.memref_slice %arg6[%dma_start3A_72, %dma_start3A_73] : memref<160x125xi32, #tpu.memory_space<vmem>> -> memref<1x125xi32, #tpu.memory_space<vmem>>
    %dma_start3A_75 = tpu.memref_squeeze %dma_start3A_74 : memref<1x125xi32, #tpu.memory_space<vmem>> -> memref<125xi32, #tpu.memory_space<vmem>>
    %dma_start3A_76 = arith.constant 0 : i32
    %dma_start3A_77 = arith.constant 0 : i32
    %dma_start3A_78 = tpu.memref_slice %arg2[%dma_start3A_76, %dma_start3A_77] : memref<20000x64xf32, #tpu.memory_space<hbm>> -> memref<20000x64xf32, #tpu.memory_space<hbm>>
    tpu.enqueue_indirect_dma source(%dma_start3A_78 : memref<20000x64xf32, #tpu.memory_space<hbm>>) target(%arg11 : memref<125x64xf32, #tpu.memory_space<vmem>>) offsets(%dma_start3A_75 : memref<125xi32, #tpu.memory_space<vmem>>) semaphore(%arg16 : memref<!tpu.dma_semaphore, #tpu.memory_space<semaphore_mem>>)
    %dma_start3A_79 = arith.constant 4 : i32
    %dma_start3A_80 = arith.constant 0 : i32
    %dma_start3A_81 = tpu.memref_slice %arg6[%dma_start3A_79, %dma_start3A_80] : memref<160x125xi32, #tpu.memory_space<vmem>> -> memref<1x125xi32, #tpu.memory_space<vmem>>
    %dma_start3A_82 = tpu.memref_squeeze %dma_start3A_81 : memref<1x125xi32, #tpu.memory_space<vmem>> -> memref<125xi32, #tpu.memory_space<vmem>>
    %dma_start3A_83 = arith.constant 0 : i32
    %dma_start3A_84 = arith.constant 0 : i32
    %dma_start3A_85 = tpu.memref_slice %arg2[%dma_start3A_83, %dma_start3A_84] : memref<20000x64xf32, #tpu.memory_space<hbm>> -> memref<20000x64xf32, #tpu.memory_space<hbm>>
    tpu.enqueue_indirect_dma source(%dma_start3A_85 : memref<20000x64xf32, #tpu.memory_space<hbm>>) target(%arg12 : memref<125x64xf32, #tpu.memory_space<vmem>>) offsets(%dma_start3A_82 : memref<125xi32, #tpu.memory_space<vmem>>) semaphore(%arg17 : memref<!tpu.dma_semaphore, #tpu.memory_space<semaphore_mem>>)
    %scan3A_86 = arith.constant 0 : i32
    %scan3A_87 = arith.constant 32 : i32
    %scan3A_88 = arith.addi %scan3A_86, %scan3A_87 : i32
    %scan3A_89 = arith.constant 1 : i32
    scf.for %scan3A_103 = %scan3A_86 to %scan3A_88 step %scan3A_89  : i32 {
      %mul3A_104 = arith.constant 5 : i32
      %mul3A_105 = arith.muli %scan3A_103, %mul3A_104 : i32
      %add3A = arith.constant 0 : i32
      %add3A_106 = arith.addi %add3A, %mul3A_105 : i32
      %add3A_107 = arith.constant 0 : i32
      %add3A_108 = arith.addi %add3A_106, %add3A_107 : i32
      %dma_wait3A_109 = arith.constant 0 : i32
      %dma_wait3A_110 = tpu.memref_slice %arg6[%add3A_108, %dma_wait3A_109] : memref<160x125xi32, #tpu.memory_space<vmem>> -> memref<1x125xi32, #tpu.memory_space<vmem>>
      %dma_wait3A_111 = tpu.memref_squeeze %dma_wait3A_110 : memref<1x125xi32, #tpu.memory_space<vmem>> -> memref<125xi32, #tpu.memory_space<vmem>>
      %dma_wait3A_112 = arith.constant 0 : i32
      %dma_wait3A_113 = arith.constant 0 : i32
      %dma_wait3A_114 = tpu.memref_slice %arg2[%dma_wait3A_112, %dma_wait3A_113] : memref<20000x64xf32, #tpu.memory_space<hbm>> -> memref<20000x64xf32, #tpu.memory_space<hbm>>
      tpu.wait_indirect_dma semaphore(%arg13 : memref<!tpu.dma_semaphore, #tpu.memory_space<semaphore_mem>>) src(%dma_wait3A_114 : memref<20000x64xf32, #tpu.memory_space<hbm>>) dst(%arg8 : memref<125x64xf32, #tpu.memory_space<vmem>>)
      %dma_start3A_115 = arith.constant 0 : i32
      %dma_start3A_116 = tpu.memref_slice %arg7[%add3A_108, %dma_start3A_115] : memref<160x125xi32, #tpu.memory_space<vmem>> -> memref<1x125xi32, #tpu.memory_space<vmem>>
      %dma_start3A_117 = tpu.memref_squeeze %dma_start3A_116 : memref<1x125xi32, #tpu.memory_space<vmem>> -> memref<125xi32, #tpu.memory_space<vmem>>
      %dma_start3A_118 = arith.constant 0 : i32
      %dma_start3A_119 = arith.constant 0 : i32
      %dma_start3A_120 = tpu.memref_slice %arg26[%dma_start3A_118, %dma_start3A_119] : memref<10000x64xf32, #tpu.memory_space<vmem_shared>> -> memref<10000x64xf32, #tpu.memory_space<vmem_shared>>
      tpu.enqueue_indirect_dma source(%arg8 : memref<125x64xf32, #tpu.memory_space<vmem>>) target(%dma_start3A_120 : memref<10000x64xf32, #tpu.memory_space<vmem_shared>>) offsets(%dma_start3A_117 : memref<125xi32, #tpu.memory_space<vmem>>) semaphore(%arg18 : memref<!tpu.dma_semaphore, #tpu.memory_space<semaphore_mem>>) {add = true}
      %add3A_121 = arith.constant 1 : i32
      %add3A_122 = arith.addi %add3A_106, %add3A_121 : i32
      %dma_wait3A_123 = arith.constant 0 : i32
      %dma_wait3A_124 = tpu.memref_slice %arg6[%add3A_122, %dma_wait3A_123] : memref<160x125xi32, #tpu.memory_space<vmem>> -> memref<1x125xi32, #tpu.memory_space<vmem>>
      %dma_wait3A_125 = tpu.memref_squeeze %dma_wait3A_124 : memref<1x125xi32, #tpu.memory_space<vmem>> -> memref<125xi32, #tpu.memory_space<vmem>>
      %dma_wait3A_126 = arith.constant 0 : i32
      %dma_wait3A_127 = arith.constant 0 : i32
      %dma_wait3A_128 = tpu.memref_slice %arg2[%dma_wait3A_126, %dma_wait3A_127] : memref<20000x64xf32, #tpu.memory_space<hbm>> -> memref<20000x64xf32, #tpu.memory_space<hbm>>
      tpu.wait_indirect_dma semaphore(%arg14 : memref<!tpu.dma_semaphore, #tpu.memory_space<semaphore_mem>>) src(%dma_wait3A_128 : memref<20000x64xf32, #tpu.memory_space<hbm>>) dst(%arg9 : memref<125x64xf32, #tpu.memory_space<vmem>>)
      %dma_start3A_129 = arith.constant 0 : i32
      %dma_start3A_130 = tpu.memref_slice %arg7[%add3A_122, %dma_start3A_129] : memref<160x125xi32, #tpu.memory_space<vmem>> -> memref<1x125xi32, #tpu.memory_space<vmem>>
      %dma_start3A_131 = tpu.memref_squeeze %dma_start3A_130 : memref<1x125xi32, #tpu.memory_space<vmem>> -> memref<125xi32, #tpu.memory_space<vmem>>
      %dma_start3A_132 = arith.constant 0 : i32
      %dma_start3A_133 = arith.constant 0 : i32
      %dma_start3A_134 = tpu.memref_slice %arg26[%dma_start3A_132, %dma_start3A_133] : memref<10000x64xf32, #tpu.memory_space<vmem_shared>> -> memref<10000x64xf32, #tpu.memory_space<vmem_shared>>
      tpu.enqueue_indirect_dma source(%arg9 : memref<125x64xf32, #tpu.memory_space<vmem>>) target(%dma_start3A_134 : memref<10000x64xf32, #tpu.memory_space<vmem_shared>>) offsets(%dma_start3A_131 : memref<125xi32, #tpu.memory_space<vmem>>) semaphore(%arg19 : memref<!tpu.dma_semaphore, #tpu.memory_space<semaphore_mem>>) {add = true}
      %add3A_135 = arith.constant 2 : i32
      %add3A_136 = arith.addi %add3A_106, %add3A_135 : i32
      %dma_wait3A_137 = arith.constant 0 : i32
      %dma_wait3A_138 = tpu.memref_slice %arg6[%add3A_136, %dma_wait3A_137] : memref<160x125xi32, #tpu.memory_space<vmem>> -> memref<1x125xi32, #tpu.memory_space<vmem>>
      %dma_wait3A_139 = tpu.memref_squeeze %dma_wait3A_138 : memref<1x125xi32, #tpu.memory_space<vmem>> -> memref<125xi32, #tpu.memory_space<vmem>>
      %dma_wait3A_140 = arith.constant 0 : i32
      %dma_wait3A_141 = arith.constant 0 : i32
      %dma_wait3A_142 = tpu.memref_slice %arg2[%dma_wait3A_140, %dma_wait3A_141] : memref<20000x64xf32, #tpu.memory_space<hbm>> -> memref<20000x64xf32, #tpu.memory_space<hbm>>
      tpu.wait_indirect_dma semaphore(%arg15 : memref<!tpu.dma_semaphore, #tpu.memory_space<semaphore_mem>>) src(%dma_wait3A_142 : memref<20000x64xf32, #tpu.memory_space<hbm>>) dst(%arg10 : memref<125x64xf32, #tpu.memory_space<vmem>>)
      %dma_start3A_143 = arith.constant 0 : i32
      %dma_start3A_144 = tpu.memref_slice %arg7[%add3A_136, %dma_start3A_143] : memref<160x125xi32, #tpu.memory_space<vmem>> -> memref<1x125xi32, #tpu.memory_space<vmem>>
      %dma_start3A_145 = tpu.memref_squeeze %dma_start3A_144 : memref<1x125xi32, #tpu.memory_space<vmem>> -> memref<125xi32, #tpu.memory_space<vmem>>
      %dma_start3A_146 = arith.constant 0 : i32
      %dma_start3A_147 = arith.constant 0 : i32
      %dma_start3A_148 = tpu.memref_slice %arg26[%dma_start3A_146, %dma_start3A_147] : memref<10000x64xf32, #tpu.memory_space<vmem_shared>> -> memref<10000x64xf32, #tpu.memory_space<vmem_shared>>
      tpu.enqueue_indirect_dma source(%arg10 : memref<125x64xf32, #tpu.memory_space<vmem>>) target(%dma_start3A_148 : memref<10000x64xf32, #tpu.memory_space<vmem_shared>>) offsets(%dma_start3A_145 : memref<125xi32, #tpu.memory_space<vmem>>) semaphore(%arg20 : memref<!tpu.dma_semaphore, #tpu.memory_space<semaphore_mem>>) {add = true}
      %add3A_149 = arith.constant 3 : i32
      %add3A_150 = arith.addi %add3A_106, %add3A_149 : i32
      %dma_wait3A_151 = arith.constant 0 : i32
      %dma_wait3A_152 = tpu.memref_slice %arg6[%add3A_150, %dma_wait3A_151] : memref<160x125xi32, #tpu.memory_space<vmem>> -> memref<1x125xi32, #tpu.memory_space<vmem>>
      %dma_wait3A_153 = tpu.memref_squeeze %dma_wait3A_152 : memref<1x125xi32, #tpu.memory_space<vmem>> -> memref<125xi32, #tpu.memory_space<vmem>>
      %dma_wait3A_154 = arith.constant 0 : i32
      %dma_wait3A_155 = arith.constant 0 : i32
      %dma_wait3A_156 = tpu.memref_slice %arg2[%dma_wait3A_154, %dma_wait3A_155] : memref<20000x64xf32, #tpu.memory_space<hbm>> -> memref<20000x64xf32, #tpu.memory_space<hbm>>
      tpu.wait_indirect_dma semaphore(%arg16 : memref<!tpu.dma_semaphore, #tpu.memory_space<semaphore_mem>>) src(%dma_wait3A_156 : memref<20000x64xf32, #tpu.memory_space<hbm>>) dst(%arg11 : memref<125x64xf32, #tpu.memory_space<vmem>>)
      %dma_start3A_157 = arith.constant 0 : i32
      %dma_start3A_158 = tpu.memref_slice %arg7[%add3A_150, %dma_start3A_157] : memref<160x125xi32, #tpu.memory_space<vmem>> -> memref<1x125xi32, #tpu.memory_space<vmem>>
      %dma_start3A_159 = tpu.memref_squeeze %dma_start3A_158 : memref<1x125xi32, #tpu.memory_space<vmem>> -> memref<125xi32, #tpu.memory_space<vmem>>
      %dma_start3A_160 = arith.constant 0 : i32
      %dma_start3A_161 = arith.constant 0 : i32
      %dma_start3A_162 = tpu.memref_slice %arg26[%dma_start3A_160, %dma_start3A_161] : memref<10000x64xf32, #tpu.memory_space<vmem_shared>> -> memref<10000x64xf32, #tpu.memory_space<vmem_shared>>
      tpu.enqueue_indirect_dma source(%arg11 : memref<125x64xf32, #tpu.memory_space<vmem>>) target(%dma_start3A_162 : memref<10000x64xf32, #tpu.memory_space<vmem_shared>>) offsets(%dma_start3A_159 : memref<125xi32, #tpu.memory_space<vmem>>) semaphore(%arg21 : memref<!tpu.dma_semaphore, #tpu.memory_space<semaphore_mem>>) {add = true}
      %add3A_163 = arith.constant 4 : i32
      %add3A_164 = arith.addi %add3A_106, %add3A_163 : i32
      %dma_wait3A_165 = arith.constant 0 : i32
      %dma_wait3A_166 = tpu.memref_slice %arg6[%add3A_164, %dma_wait3A_165] : memref<160x125xi32, #tpu.memory_space<vmem>> -> memref<1x125xi32, #tpu.memory_space<vmem>>
      %dma_wait3A_167 = tpu.memref_squeeze %dma_wait3A_166 : memref<1x125xi32, #tpu.memory_space<vmem>> -> memref<125xi32, #tpu.memory_space<vmem>>
      %dma_wait3A_168 = arith.constant 0 : i32
      %dma_wait3A_169 = arith.constant 0 : i32
      %dma_wait3A_170 = tpu.memref_slice %arg2[%dma_wait3A_168, %dma_wait3A_169] : memref<20000x64xf32, #tpu.memory_space<hbm>> -> memref<20000x64xf32, #tpu.memory_space<hbm>>
      tpu.wait_indirect_dma semaphore(%arg17 : memref<!tpu.dma_semaphore, #tpu.memory_space<semaphore_mem>>) src(%dma_wait3A_170 : memref<20000x64xf32, #tpu.memory_space<hbm>>) dst(%arg12 : memref<125x64xf32, #tpu.memory_space<vmem>>)
      %dma_start3A_171 = arith.constant 0 : i32
      %dma_start3A_172 = tpu.memref_slice %arg7[%add3A_164, %dma_start3A_171] : memref<160x125xi32, #tpu.memory_space<vmem>> -> memref<1x125xi32, #tpu.memory_space<vmem>>
      %dma_start3A_173 = tpu.memref_squeeze %dma_start3A_172 : memref<1x125xi32, #tpu.memory_space<vmem>> -> memref<125xi32, #tpu.memory_space<vmem>>
      %dma_start3A_174 = arith.constant 0 : i32
      %dma_start3A_175 = arith.constant 0 : i32
      %dma_start3A_176 = tpu.memref_slice %arg26[%dma_start3A_174, %dma_start3A_175] : memref<10000x64xf32, #tpu.memory_space<vmem_shared>> -> memref<10000x64xf32, #tpu.memory_space<vmem_shared>>
      tpu.enqueue_indirect_dma source(%arg12 : memref<125x64xf32, #tpu.memory_space<vmem>>) target(%dma_start3A_176 : memref<10000x64xf32, #tpu.memory_space<vmem_shared>>) offsets(%dma_start3A_173 : memref<125xi32, #tpu.memory_space<vmem>>) semaphore(%arg22 : memref<!tpu.dma_semaphore, #tpu.memory_space<semaphore_mem>>) {add = true}
      %add3A_177 = arith.constant 0 : i32
      %add3A_178 = arith.addi %add3A_106, %add3A_177 : i32
      %dma_wait3A_179 = arith.constant 0 : i32
      %dma_wait3A_180 = tpu.memref_slice %arg7[%add3A_178, %dma_wait3A_179] : memref<160x125xi32, #tpu.memory_space<vmem>> -> memref<1x125xi32, #tpu.memory_space<vmem>>
      %dma_wait3A_181 = tpu.memref_squeeze %dma_wait3A_180 : memref<1x125xi32, #tpu.memory_space<vmem>> -> memref<125xi32, #tpu.memory_space<vmem>>
      %dma_wait3A_182 = arith.constant 0 : i32
      %dma_wait3A_183 = arith.constant 0 : i32
      %dma_wait3A_184 = tpu.memref_slice %arg26[%dma_wait3A_182, %dma_wait3A_183] : memref<10000x64xf32, #tpu.memory_space<vmem_shared>> -> memref<10000x64xf32, #tpu.memory_space<vmem_shared>>
      tpu.wait_indirect_dma semaphore(%arg18 : memref<!tpu.dma_semaphore, #tpu.memory_space<semaphore_mem>>) src(%arg8 : memref<125x64xf32, #tpu.memory_space<vmem>>) dst(%dma_wait3A_184 : memref<10000x64xf32, #tpu.memory_space<vmem_shared>>)
      %add3A_185 = arith.constant 5 : i32
      %add3A_186 = arith.addi %add3A_178, %add3A_185 : i32
      %lt3A_187 = arith.constant 160 : i32
      %lt3A_188 = arith.cmpi slt, %add3A_186, %lt3A_187 : i32
      %convert_element_type3A_189 = arith.extui %lt3A_188 : i1 to i32
      %cond3A_190 = arith.constant 0 : i32
      %cond3A_191 = arith.cmpi ne, %convert_element_type3A_189, %cond3A_190 : i32
      scf.if %cond3A_191 {
        %add3A_252 = arith.constant 5 : i32
        %add3A_253 = arith.addi %add3A_178, %add3A_252 : i32
        %dma_start3A_254 = arith.constant 0 : i32
        %dma_start3A_255 = tpu.memref_slice %arg6[%add3A_253, %dma_start3A_254] : memref<160x125xi32, #tpu.memory_space<vmem>> -> memref<1x125xi32, #tpu.memory_space<vmem>>
        %dma_start3A_256 = tpu.memref_squeeze %dma_start3A_255 : memref<1x125xi32, #tpu.memory_space<vmem>> -> memref<125xi32, #tpu.memory_space<vmem>>
        %dma_start3A_257 = arith.constant 0 : i32
        %dma_start3A_258 = arith.constant 0 : i32
        %dma_start3A_259 = tpu.memref_slice %arg2[%dma_start3A_257, %dma_start3A_258] : memref<20000x64xf32, #tpu.memory_space<hbm>> -> memref<20000x64xf32, #tpu.memory_space<hbm>>
        tpu.enqueue_indirect_dma source(%dma_start3A_259 : memref<20000x64xf32, #tpu.memory_space<hbm>>) target(%arg8 : memref<125x64xf32, #tpu.memory_space<vmem>>) offsets(%dma_start3A_256 : memref<125xi32, #tpu.memory_space<vmem>>) semaphore(%arg13 : memref<!tpu.dma_semaphore, #tpu.memory_space<semaphore_mem>>)
      } else {
      }
      %add3A_192 = arith.constant 1 : i32
      %add3A_193 = arith.addi %add3A_106, %add3A_192 : i32
      %dma_wait3A_194 = arith.constant 0 : i32
      %dma_wait3A_195 = tpu.memref_slice %arg7[%add3A_193, %dma_wait3A_194] : memref<160x125xi32, #tpu.memory_space<vmem>> -> memref<1x125xi32, #tpu.memory_space<vmem>>
      %dma_wait3A_196 = tpu.memref_squeeze %dma_wait3A_195 : memref<1x125xi32, #tpu.memory_space<vmem>> -> memref<125xi32, #tpu.memory_space<vmem>>
      %dma_wait3A_197 = arith.constant 0 : i32
      %dma_wait3A_198 = arith.constant 0 : i32
      %dma_wait3A_199 = tpu.memref_slice %arg26[%dma_wait3A_197, %dma_wait3A_198] : memref<10000x64xf32, #tpu.memory_space<vmem_shared>> -> memref<10000x64xf32, #tpu.memory_space<vmem_shared>>
      tpu.wait_indirect_dma semaphore(%arg19 : memref<!tpu.dma_semaphore, #tpu.memory_space<semaphore_mem>>) src(%arg9 : memref<125x64xf32, #tpu.memory_space<vmem>>) dst(%dma_wait3A_199 : memref<10000x64xf32, #tpu.memory_space<vmem_shared>>)
      %add3A_200 = arith.constant 5 : i32
      %add3A_201 = arith.addi %add3A_193, %add3A_200 : i32
      %lt3A_202 = arith.constant 160 : i32
      %lt3A_203 = arith.cmpi slt, %add3A_201, %lt3A_202 : i32
      %convert_element_type3A_204 = arith.extui %lt3A_203 : i1 to i32
      %cond3A_205 = arith.constant 0 : i32
      %cond3A_206 = arith.cmpi ne, %convert_element_type3A_204, %cond3A_205 : i32
      scf.if %cond3A_206 {
        %add3A_252 = arith.constant 5 : i32
        %add3A_253 = arith.addi %add3A_193, %add3A_252 : i32
        %dma_start3A_254 = arith.constant 0 : i32
        %dma_start3A_255 = tpu.memref_slice %arg6[%add3A_253, %dma_start3A_254] : memref<160x125xi32, #tpu.memory_space<vmem>> -> memref<1x125xi32, #tpu.memory_space<vmem>>
        %dma_start3A_256 = tpu.memref_squeeze %dma_start3A_255 : memref<1x125xi32, #tpu.memory_space<vmem>> -> memref<125xi32, #tpu.memory_space<vmem>>
        %dma_start3A_257 = arith.constant 0 : i32
        %dma_start3A_258 = arith.constant 0 : i32
        %dma_start3A_259 = tpu.memref_slice %arg2[%dma_start3A_257, %dma_start3A_258] : memref<20000x64xf32, #tpu.memory_space<hbm>> -> memref<20000x64xf32, #tpu.memory_space<hbm>>
        tpu.enqueue_indirect_dma source(%dma_start3A_259 : memref<20000x64xf32, #tpu.memory_space<hbm>>) target(%arg9 : memref<125x64xf32, #tpu.memory_space<vmem>>) offsets(%dma_start3A_256 : memref<125xi32, #tpu.memory_space<vmem>>) semaphore(%arg14 : memref<!tpu.dma_semaphore, #tpu.memory_space<semaphore_mem>>)
      } else {
      }
      %add3A_207 = arith.constant 2 : i32
      %add3A_208 = arith.addi %add3A_106, %add3A_207 : i32
      %dma_wait3A_209 = arith.constant 0 : i32
      %dma_wait3A_210 = tpu.memref_slice %arg7[%add3A_208, %dma_wait3A_209] : memref<160x125xi32, #tpu.memory_space<vmem>> -> memref<1x125xi32, #tpu.memory_space<vmem>>
      %dma_wait3A_211 = tpu.memref_squeeze %dma_wait3A_210 : memref<1x125xi32, #tpu.memory_space<vmem>> -> memref<125xi32, #tpu.memory_space<vmem>>
      %dma_wait3A_212 = arith.constant 0 : i32
      %dma_wait3A_213 = arith.constant 0 : i32
      %dma_wait3A_214 = tpu.memref_slice %arg26[%dma_wait3A_212, %dma_wait3A_213] : memref<10000x64xf32, #tpu.memory_space<vmem_shared>> -> memref<10000x64xf32, #tpu.memory_space<vmem_shared>>
      tpu.wait_indirect_dma semaphore(%arg20 : memref<!tpu.dma_semaphore, #tpu.memory_space<semaphore_mem>>) src(%arg10 : memref<125x64xf32, #tpu.memory_space<vmem>>) dst(%dma_wait3A_214 : memref<10000x64xf32, #tpu.memory_space<vmem_shared>>)
      %add3A_215 = arith.constant 5 : i32
      %add3A_216 = arith.addi %add3A_208, %add3A_215 : i32
      %lt3A_217 = arith.constant 160 : i32
      %lt3A_218 = arith.cmpi slt, %add3A_216, %lt3A_217 : i32
      %convert_element_type3A_219 = arith.extui %lt3A_218 : i1 to i32
      %cond3A_220 = arith.constant 0 : i32
      %cond3A_221 = arith.cmpi ne, %convert_element_type3A_219, %cond3A_220 : i32
      scf.if %cond3A_221 {
        %add3A_252 = arith.constant 5 : i32
        %add3A_253 = arith.addi %add3A_208, %add3A_252 : i32
        %dma_start3A_254 = arith.constant 0 : i32
        %dma_start3A_255 = tpu.memref_slice %arg6[%add3A_253, %dma_start3A_254] : memref<160x125xi32, #tpu.memory_space<vmem>> -> memref<1x125xi32, #tpu.memory_space<vmem>>
        %dma_start3A_256 = tpu.memref_squeeze %dma_start3A_255 : memref<1x125xi32, #tpu.memory_space<vmem>> -> memref<125xi32, #tpu.memory_space<vmem>>
        %dma_start3A_257 = arith.constant 0 : i32
        %dma_start3A_258 = arith.constant 0 : i32
        %dma_start3A_259 = tpu.memref_slice %arg2[%dma_start3A_257, %dma_start3A_258] : memref<20000x64xf32, #tpu.memory_space<hbm>> -> memref<20000x64xf32, #tpu.memory_space<hbm>>
        tpu.enqueue_indirect_dma source(%dma_start3A_259 : memref<20000x64xf32, #tpu.memory_space<hbm>>) target(%arg10 : memref<125x64xf32, #tpu.memory_space<vmem>>) offsets(%dma_start3A_256 : memref<125xi32, #tpu.memory_space<vmem>>) semaphore(%arg15 : memref<!tpu.dma_semaphore, #tpu.memory_space<semaphore_mem>>)
      } else {
      }
      %add3A_222 = arith.constant 3 : i32
      %add3A_223 = arith.addi %add3A_106, %add3A_222 : i32
      %dma_wait3A_224 = arith.constant 0 : i32
      %dma_wait3A_225 = tpu.memref_slice %arg7[%add3A_223, %dma_wait3A_224] : memref<160x125xi32, #tpu.memory_space<vmem>> -> memref<1x125xi32, #tpu.memory_space<vmem>>
      %dma_wait3A_226 = tpu.memref_squeeze %dma_wait3A_225 : memref<1x125xi32, #tpu.memory_space<vmem>> -> memref<125xi32, #tpu.memory_space<vmem>>
      %dma_wait3A_227 = arith.constant 0 : i32
      %dma_wait3A_228 = arith.constant 0 : i32
      %dma_wait3A_229 = tpu.memref_slice %arg26[%dma_wait3A_227, %dma_wait3A_228] : memref<10000x64xf32, #tpu.memory_space<vmem_shared>> -> memref<10000x64xf32, #tpu.memory_space<vmem_shared>>
      tpu.wait_indirect_dma semaphore(%arg21 : memref<!tpu.dma_semaphore, #tpu.memory_space<semaphore_mem>>) src(%arg11 : memref<125x64xf32, #tpu.memory_space<vmem>>) dst(%dma_wait3A_229 : memref<10000x64xf32, #tpu.memory_space<vmem_shared>>)
      %add3A_230 = arith.constant 5 : i32
      %add3A_231 = arith.addi %add3A_223, %add3A_230 : i32
      %lt3A_232 = arith.constant 160 : i32
      %lt3A_233 = arith.cmpi slt, %add3A_231, %lt3A_232 : i32
      %convert_element_type3A_234 = arith.extui %lt3A_233 : i1 to i32
      %cond3A_235 = arith.constant 0 : i32
      %cond3A_236 = arith.cmpi ne, %convert_element_type3A_234, %cond3A_235 : i32
      scf.if %cond3A_236 {
        %add3A_252 = arith.constant 5 : i32
        %add3A_253 = arith.addi %add3A_223, %add3A_252 : i32
        %dma_start3A_254 = arith.constant 0 : i32
        %dma_start3A_255 = tpu.memref_slice %arg6[%add3A_253, %dma_start3A_254] : memref<160x125xi32, #tpu.memory_space<vmem>> -> memref<1x125xi32, #tpu.memory_space<vmem>>
        %dma_start3A_256 = tpu.memref_squeeze %dma_start3A_255 : memref<1x125xi32, #tpu.memory_space<vmem>> -> memref<125xi32, #tpu.memory_space<vmem>>
        %dma_start3A_257 = arith.constant 0 : i32
        %dma_start3A_258 = arith.constant 0 : i32
        %dma_start3A_259 = tpu.memref_slice %arg2[%dma_start3A_257, %dma_start3A_258] : memref<20000x64xf32, #tpu.memory_space<hbm>> -> memref<20000x64xf32, #tpu.memory_space<hbm>>
        tpu.enqueue_indirect_dma source(%dma_start3A_259 : memref<20000x64xf32, #tpu.memory_space<hbm>>) target(%arg11 : memref<125x64xf32, #tpu.memory_space<vmem>>) offsets(%dma_start3A_256 : memref<125xi32, #tpu.memory_space<vmem>>) semaphore(%arg16 : memref<!tpu.dma_semaphore, #tpu.memory_space<semaphore_mem>>)
      } else {
      }
      %add3A_237 = arith.constant 4 : i32
      %add3A_238 = arith.addi %add3A_106, %add3A_237 : i32
      %dma_wait3A_239 = arith.constant 0 : i32
      %dma_wait3A_240 = tpu.memref_slice %arg7[%add3A_238, %dma_wait3A_239] : memref<160x125xi32, #tpu.memory_space<vmem>> -> memref<1x125xi32, #tpu.memory_space<vmem>>
      %dma_wait3A_241 = tpu.memref_squeeze %dma_wait3A_240 : memref<1x125xi32, #tpu.memory_space<vmem>> -> memref<125xi32, #tpu.memory_space<vmem>>
      %dma_wait3A_242 = arith.constant 0 : i32
      %dma_wait3A_243 = arith.constant 0 : i32
      %dma_wait3A_244 = tpu.memref_slice %arg26[%dma_wait3A_242, %dma_wait3A_243] : memref<10000x64xf32, #tpu.memory_space<vmem_shared>> -> memref<10000x64xf32, #tpu.memory_space<vmem_shared>>
      tpu.wait_indirect_dma semaphore(%arg22 : memref<!tpu.dma_semaphore, #tpu.memory_space<semaphore_mem>>) src(%arg12 : memref<125x64xf32, #tpu.memory_space<vmem>>) dst(%dma_wait3A_244 : memref<10000x64xf32, #tpu.memory_space<vmem_shared>>)
      %add3A_245 = arith.constant 5 : i32
      %add3A_246 = arith.addi %add3A_238, %add3A_245 : i32
      %lt3A_247 = arith.constant 160 : i32
      %lt3A_248 = arith.cmpi slt, %add3A_246, %lt3A_247 : i32
      %convert_element_type3A_249 = arith.extui %lt3A_248 : i1 to i32
      %cond3A_250 = arith.constant 0 : i32
      %cond3A_251 = arith.cmpi ne, %convert_element_type3A_249, %cond3A_250 : i32
      scf.if %cond3A_251 {
        %add3A_252 = arith.constant 5 : i32
        %add3A_253 = arith.addi %add3A_238, %add3A_252 : i32
        %dma_start3A_254 = arith.constant 0 : i32
        %dma_start3A_255 = tpu.memref_slice %arg6[%add3A_253, %dma_start3A_254] : memref<160x125xi32, #tpu.memory_space<vmem>> -> memref<1x125xi32, #tpu.memory_space<vmem>>
        %dma_start3A_256 = tpu.memref_squeeze %dma_start3A_255 : memref<1x125xi32, #tpu.memory_space<vmem>> -> memref<125xi32, #tpu.memory_space<vmem>>
        %dma_start3A_257 = arith.constant 0 : i32
        %dma_start3A_258 = arith.constant 0 : i32
        %dma_start3A_259 = tpu.memref_slice %arg2[%dma_start3A_257, %dma_start3A_258] : memref<20000x64xf32, #tpu.memory_space<hbm>> -> memref<20000x64xf32, #tpu.memory_space<hbm>>
        tpu.enqueue_indirect_dma source(%dma_start3A_259 : memref<20000x64xf32, #tpu.memory_space<hbm>>) target(%arg12 : memref<125x64xf32, #tpu.memory_space<vmem>>) offsets(%dma_start3A_256 : memref<125xi32, #tpu.memory_space<vmem>>) semaphore(%arg17 : memref<!tpu.dma_semaphore, #tpu.memory_space<semaphore_mem>>)
      } else {
      }
    }
    %scan3A_90 = arith.constant 32 : i32
    %barrier3A_91 = arith.constant 0 : index
    tpu.barrier barrier_id(%barrier3A_91)
    %mul3A = arith.constant 64 : i32
    %mul3A_92 = arith.muli %arg0, %mul3A : i32
    %lt3A_93 = arith.constant 15 : i32
    %lt3A_94 = arith.cmpi slt, %arg1, %lt3A_93 : i32
    %convert_element_type3A_95 = arith.extui %lt3A_94 : i1 to i32
    %cond3A_96 = arith.constant 0 : i32
    %cond3A_97 = arith.cmpi ne, %convert_element_type3A_95, %cond3A_96 : i32
    scf.if %cond3A_97 {
      %mul3A_103 = arith.constant 640 : i32
      %mul3A_104 = arith.muli %arg1, %mul3A_103 : i32
      %mul3A_105 = arith.constant 640 : i32
      %mul3A_106 = arith.muli %arg1, %mul3A_105 : i32
      "tpu.region"() ({
        %run_scoped3A = tpu.sem_alloc : memref<!tpu.dma_semaphore, #tpu.memory_space<semaphore_mem>>
        %dma_start3A_107 = tpu.memref_slice %arg5[%mul3A_106, %mul3A_92] : memref<10000x128xf32, #tpu.memory_space<hbm>> -> memref<640x64xf32, #tpu.memory_space<hbm>>
        %dma_start3A_108 = arith.constant 0 : i32
        %dma_start3A_109 = tpu.memref_slice %arg26[%mul3A_104, %dma_start3A_108] : memref<10000x64xf32, #tpu.memory_space<vmem_shared>> -> memref<640x64xf32, #tpu.memory_space<vmem_shared>>
        tpu.enqueue_dma source(%dma_start3A_109 : memref<640x64xf32, #tpu.memory_space<vmem_shared>>) target(%dma_start3A_107 : memref<640x64xf32, #tpu.memory_space<hbm>>) target_semaphore(%run_scoped3A : memref<!tpu.dma_semaphore, #tpu.memory_space<semaphore_mem>>)
        %dma_wait3A_110 = tpu.memref_slice %arg5[%mul3A_106, %mul3A_92] : memref<10000x128xf32, #tpu.memory_space<hbm>> -> memref<640x64xf32, #tpu.memory_space<hbm>>
        %dma_wait3A_111 = arith.constant 0 : i32
        %dma_wait3A_112 = tpu.memref_slice %arg26[%mul3A_104, %dma_wait3A_111] : memref<10000x64xf32, #tpu.memory_space<vmem_shared>> -> memref<640x64xf32, #tpu.memory_space<vmem_shared>>
        tpu.wait_dma2 semaphore(%run_scoped3A : memref<!tpu.dma_semaphore, #tpu.memory_space<semaphore_mem>>) src(%dma_wait3A_112 : memref<640x64xf32, #tpu.memory_space<vmem_shared>>) dst(%dma_wait3A_110 : memref<640x64xf32, #tpu.memory_space<hbm>>)
        tpu.yield
      }) : () -> ()
    } else {
    }
    %eq3A_98 = arith.constant 15 : i32
    %eq3A_99 = arith.cmpi eq, %arg1, %eq3A_98 : i32
    %convert_element_type3A_100 = arith.extui %eq3A_99 : i1 to i32
    %cond3A_101 = arith.constant 0 : i32
    %cond3A_102 = arith.cmpi ne, %convert_element_type3A_100, %cond3A_101 : i32
    scf.if %cond3A_102 {
      "tpu.region"() ({
        %run_scoped3A = tpu.sem_alloc : memref<!tpu.dma_semaphore, #tpu.memory_space<semaphore_mem>>
        %dma_start3A_103 = arith.constant 9600 : i32
        %dma_start3A_104 = tpu.memref_slice %arg5[%dma_start3A_103, %mul3A_92] : memref<10000x128xf32, #tpu.memory_space<hbm>> -> memref<400x64xf32, #tpu.memory_space<hbm>>
        %dma_start3A_105 = arith.constant 9600 : i32
        %dma_start3A_106 = arith.constant 0 : i32
        %dma_start3A_107 = tpu.memref_slice %arg26[%dma_start3A_105, %dma_start3A_106] : memref<10000x64xf32, #tpu.memory_space<vmem_shared>> -> memref<400x64xf32, #tpu.memory_space<vmem_shared>>
        tpu.enqueue_dma source(%dma_start3A_107 : memref<400x64xf32, #tpu.memory_space<vmem_shared>>) target(%dma_start3A_104 : memref<400x64xf32, #tpu.memory_space<hbm>>) target_semaphore(%run_scoped3A : memref<!tpu.dma_semaphore, #tpu.memory_space<semaphore_mem>>)
        %dma_wait3A_108 = arith.constant 9600 : i32
        %dma_wait3A_109 = tpu.memref_slice %arg5[%dma_wait3A_108, %mul3A_92] : memref<10000x128xf32, #tpu.memory_space<hbm>> -> memref<400x64xf32, #tpu.memory_space<hbm>>
        %dma_wait3A_110 = arith.constant 9600 : i32
        %dma_wait3A_111 = arith.constant 0 : i32
        %dma_wait3A_112 = tpu.memref_slice %arg26[%dma_wait3A_110, %dma_wait3A_111] : memref<10000x64xf32, #tpu.memory_space<vmem_shared>> -> memref<400x64xf32, #tpu.memory_space<vmem_shared>>
        tpu.wait_dma2 semaphore(%run_scoped3A : memref<!tpu.dma_semaphore, #tpu.memory_space<semaphore_mem>>) src(%dma_wait3A_112 : memref<400x64xf32, #tpu.memory_space<vmem_shared>>) dst(%dma_wait3A_109 : memref<400x64xf32, #tpu.memory_space<hbm>>)
        tpu.yield
      }) : () -> ()
    } else {
    }
    return
  }
}

module attributes {stable_mosaic.version = 14 : i64} {
  func.func @_tc_self_body(%arg0: i32, %arg1: memref<5000x128xf32, #tpu.memory_space<vmem>>, %arg2: memref<128x128xf32, #tpu.memory_space<vmem>>, %arg3: memref<1x128xf32, #tpu.memory_space<vmem>>, %arg4: memref<5000x128xf32, #tpu.memory_space<vmem>>) attributes {dimension_semantics = [#tpu.dimension_semantics<arbitrary>], iteration_bounds = array<i64: 2>, scalar_prefetch = 0 : i64, scratch_operands = 0 : i64, tpu.core_type = #tpu.core_type<tc>, window_params = [{transform_indices = @transform_0, window_bounds = array<i64: 5000, 128>}, {pipeline_mode = #tpu.pipeline_mode<synchronous>, transform_indices = @transform_1, window_bounds = array<i64: 128, 128>}, {pipeline_mode = #tpu.pipeline_mode<synchronous>, transform_indices = @transform_2, window_bounds = array<i64: 1, 128>}, {transform_indices = @transform_3, window_bounds = array<i64: 5000, 128>}]} {
    %get3A = arith.constant 0 : index
    %get3A_0 = arith.constant 0 : index
    %get3A_1 = vector.load %arg1[%get3A, %get3A_0] : memref<5000x128xf32, #tpu.memory_space<vmem>>, vector<5000x128xf32>
    %get3A_2 = arith.constant 0 : index
    %get3A_3 = arith.constant 0 : index
    %get3A_4 = vector.load %arg2[%get3A_2, %get3A_3] : memref<128x128xf32, #tpu.memory_space<vmem>>, vector<128x128xf32>
    %dot_general3A = arith.constant dense<0.000000e+00> : vector<5000x128xf32>
    %dot_general3A_5 = tpu.matmul %get3A_1, %get3A_4, %dot_general3A {dimension_numbers = #tpu.dot_dimension_numbers<[1], [0], [0], [1], [0, 0, 1, 1], [], []>, transpose_lhs_hint = false} : vector<5000x128xf32>, vector<128x128xf32>, vector<5000x128xf32> -> vector<5000x128xf32>
    %get3A_6 = arith.constant 0 : index
    %get3A_7 = arith.constant 0 : index
    %get3A_8 = vector.load %arg3[%get3A_6, %get3A_7] : memref<1x128xf32, #tpu.memory_space<vmem>>, vector<1x128xf32>
    %add3A = vector.broadcast %get3A_8 : vector<1x128xf32> to vector<5000x128xf32>
    %add3A_9 = arith.addf %dot_general3A_5, %add3A : vector<5000x128xf32>
    %swap3A = arith.constant 0 : index
    %swap3A_10 = arith.constant 0 : index
    %swap3A_11 = vector.load %arg4[%swap3A, %swap3A_10] : memref<5000x128xf32, #tpu.memory_space<vmem>>, vector<5000x128xf32>
    tpu.vector_store %arg4[%swap3A, %swap3A_10], %add3A_9 {strides = array<i32>} : memref<5000x128xf32, #tpu.memory_space<vmem>>, vector<5000x128xf32>,
    return
  }
  func.func @transform_0(%arg0: i32) -> (i32, i32) {
    %c0_i32 = arith.constant 0 : i32
    %c0_i32_0 = arith.constant 0 : i32
    return %arg0, %c0_i32 : i32, i32
  }
  func.func @transform_1(%arg0: i32) -> (i32, i32) {
    %c0_i32 = arith.constant 0 : i32
    %c0_i32_0 = arith.constant 0 : i32
    %c0_i32_1 = arith.constant 0 : i32
    return %c0_i32, %c0_i32_0 : i32, i32
  }
  func.func @transform_2(%arg0: i32) -> (i32, i32) {
    %c0_i32 = arith.constant 0 : i32
    %c0_i32_0 = arith.constant 0 : i32
    %c0_i32_1 = arith.constant 0 : i32
    return %c0_i32, %c0_i32_0 : i32, i32
  }
  func.func @transform_3(%arg0: i32) -> (i32, i32) {
    %c0_i32 = arith.constant 0 : i32
    %c0_i32_0 = arith.constant 0 : i32
    return %arg0, %c0_i32 : i32, i32
  }
}

module attributes {stable_mosaic.version = 14 : i64} {
  func.func @_tc_combine_body(%arg0: i32, %arg1: memref<5000x128xf32, #tpu.memory_space<vmem>>, %arg2: memref<5000x128xf32, #tpu.memory_space<vmem>>, %arg3: memref<5000x2xf32, #tpu.memory_space<vmem>>, %arg4: memref<128x128xf32, #tpu.memory_space<vmem>>, %arg5: memref<5000x128xf32, #tpu.memory_space<vmem>>) attributes {dimension_semantics = [#tpu.dimension_semantics<arbitrary>], iteration_bounds = array<i64: 2>, scalar_prefetch = 0 : i64, scratch_operands = 0 : i64, tpu.core_type = #tpu.core_type<tc>, window_params = [{transform_indices = @transform_0, window_bounds = array<i64: 5000, 128>}, {transform_indices = @transform_1, window_bounds = array<i64: 5000, 128>}, {transform_indices = @transform_2, window_bounds = array<i64: 5000, 2>}, {pipeline_mode = #tpu.pipeline_mode<synchronous>, transform_indices = @transform_3, window_bounds = array<i64: 128, 128>}, {transform_indices = @transform_4, window_bounds = array<i64: 5000, 128>}]} {
    %get3A = arith.constant 0 : index
    %get3A_0 = arith.constant 0 : index
    %get3A_1 = vector.load %arg3[%get3A, %get3A_0] : memref<5000x2xf32, #tpu.memory_space<vmem>>, vector<5000x2xf32>
    %reduce_sum3A = arith.constant dense<0.000000e+00> : vector<5000xf32>
    %reduce_sum3A_2 = vector.multi_reduction <add>, %get3A_1, %reduce_sum3A [1] : vector<5000x2xf32> to vector<5000xf32>
    %max3A = arith.constant 1.000000e+00 : f32
    %max3A_3 = vector.broadcast %max3A : f32 to vector<5000xf32>
    %max3A_4 = arith.maximumf %reduce_sum3A_2, %max3A_3 : vector<5000xf32>
    %get3A_5 = arith.constant 0 : index
    %get3A_6 = arith.constant 0 : index
    %get3A_7 = vector.load %arg2[%get3A_5, %get3A_6] : memref<5000x128xf32, #tpu.memory_space<vmem>>, vector<5000x128xf32>
    %div3A = arith.constant 1.000000e+00 : f32
    %div3A_8 = vector.broadcast %div3A : f32 to vector<5000xf32>
    %div3A_9 = arith.divf %div3A_8, %max3A_4 : vector<5000xf32>
    %broadcast_in_dim3A = vector.shape_cast %div3A_9 : vector<5000xf32> to vector<5000x1xf32>
    %mul3A = vector.broadcast %broadcast_in_dim3A : vector<5000x1xf32> to vector<5000x128xf32>
    %mul3A_10 = arith.mulf %get3A_7, %mul3A : vector<5000x128xf32>
    %get3A_11 = arith.constant 0 : index
    %get3A_12 = arith.constant 0 : index
    %get3A_13 = vector.load %arg1[%get3A_11, %get3A_12] : memref<5000x128xf32, #tpu.memory_space<vmem>>, vector<5000x128xf32>
    %get3A_14 = arith.constant 0 : index
    %get3A_15 = arith.constant 0 : index
    %get3A_16 = vector.load %arg4[%get3A_14, %get3A_15] : memref<128x128xf32, #tpu.memory_space<vmem>>, vector<128x128xf32>
    %dot_general3A = arith.constant dense<0.000000e+00> : vector<5000x128xf32>
    %dot_general3A_17 = tpu.matmul %mul3A_10, %get3A_16, %dot_general3A {dimension_numbers = #tpu.dot_dimension_numbers<[1], [0], [0], [1], [0, 0, 1, 1], [], []>, transpose_lhs_hint = false} : vector<5000x128xf32>, vector<128x128xf32>, vector<5000x128xf32> -> vector<5000x128xf32>
    %add3A = arith.addf %get3A_13, %dot_general3A_17 : vector<5000x128xf32>
    %max3A_18 = arith.constant 0.000000e+00 : f32
    %max3A_19 = vector.broadcast %max3A_18 : f32 to vector<5000x128xf32>
    %max3A_20 = arith.maximumf %add3A, %max3A_19 : vector<5000x128xf32>
    %swap3A = arith.constant 0 : index
    %swap3A_21 = arith.constant 0 : index
    %swap3A_22 = vector.load %arg5[%swap3A, %swap3A_21] : memref<5000x128xf32, #tpu.memory_space<vmem>>, vector<5000x128xf32>
    tpu.vector_store %arg5[%swap3A, %swap3A_21], %max3A_20 {strides = array<i32>} : memref<5000x128xf32, #tpu.memory_space<vmem>>, vector<5000x128xf32>,
    return
  }
  func.func @transform_0(%arg0: i32) -> (i32, i32) {
    %c0_i32 = arith.constant 0 : i32
    %c0_i32_0 = arith.constant 0 : i32
    return %arg0, %c0_i32 : i32, i32
  }
  func.func @transform_1(%arg0: i32) -> (i32, i32) {
    %c0_i32 = arith.constant 0 : i32
    %c0_i32_0 = arith.constant 0 : i32
    return %arg0, %c0_i32 : i32, i32
  }
  func.func @transform_2(%arg0: i32) -> (i32, i32) {
    %c0_i32 = arith.constant 0 : i32
    %c0_i32_0 = arith.constant 0 : i32
    return %arg0, %c0_i32 : i32, i32
  }
  func.func @transform_3(%arg0: i32) -> (i32, i32) {
    %c0_i32 = arith.constant 0 : i32
    %c0_i32_0 = arith.constant 0 : i32
    %c0_i32_1 = arith.constant 0 : i32
    return %c0_i32, %c0_i32_0 : i32, i32
  }
  func.func @transform_4(%arg0: i32) -> (i32, i32) {
    %c0_i32 = arith.constant 0 : i32
    %c0_i32_0 = arith.constant 0 : i32
    return %arg0, %c0_i32 : i32, i32
  }
}

module attributes {stable_mosaic.version = 14 : i64} {
  func.func @_tc_combine_body(%arg0: i32, %arg1: memref<5000x128xf32, #tpu.memory_space<vmem>>, %arg2: memref<5000x128xf32, #tpu.memory_space<vmem>>, %arg3: memref<5000x2xf32, #tpu.memory_space<vmem>>, %arg4: memref<128x128xf32, #tpu.memory_space<vmem>>, %arg5: memref<5000x128xf32, #tpu.memory_space<vmem>>) attributes {dimension_semantics = [#tpu.dimension_semantics<arbitrary>], iteration_bounds = array<i64: 2>, scalar_prefetch = 0 : i64, scratch_operands = 0 : i64, tpu.core_type = #tpu.core_type<tc>, window_params = [{transform_indices = @transform_0, window_bounds = array<i64: 5000, 128>}, {transform_indices = @transform_1, window_bounds = array<i64: 5000, 128>}, {transform_indices = @transform_2, window_bounds = array<i64: 5000, 2>}, {pipeline_mode = #tpu.pipeline_mode<synchronous>, transform_indices = @transform_3, window_bounds = array<i64: 128, 128>}, {transform_indices = @transform_4, window_bounds = array<i64: 5000, 128>}]} {
    %get3A = arith.constant 0 : index
    %get3A_0 = arith.constant 0 : index
    %get3A_1 = vector.load %arg3[%get3A, %get3A_0] : memref<5000x2xf32, #tpu.memory_space<vmem>>, vector<5000x2xf32>
    %reduce_sum3A = arith.constant dense<0.000000e+00> : vector<5000xf32>
    %reduce_sum3A_2 = vector.multi_reduction <add>, %get3A_1, %reduce_sum3A [1] : vector<5000x2xf32> to vector<5000xf32>
    %max3A = arith.constant 1.000000e+00 : f32
    %max3A_3 = vector.broadcast %max3A : f32 to vector<5000xf32>
    %max3A_4 = arith.maximumf %reduce_sum3A_2, %max3A_3 : vector<5000xf32>
    %get3A_5 = arith.constant 0 : index
    %get3A_6 = arith.constant 0 : index
    %get3A_7 = vector.load %arg2[%get3A_5, %get3A_6] : memref<5000x128xf32, #tpu.memory_space<vmem>>, vector<5000x128xf32>
    %div3A = arith.constant 1.000000e+00 : f32
    %div3A_8 = vector.broadcast %div3A : f32 to vector<5000xf32>
    %div3A_9 = arith.divf %div3A_8, %max3A_4 : vector<5000xf32>
    %broadcast_in_dim3A = vector.shape_cast %div3A_9 : vector<5000xf32> to vector<5000x1xf32>
    %mul3A = vector.broadcast %broadcast_in_dim3A : vector<5000x1xf32> to vector<5000x128xf32>
    %mul3A_10 = arith.mulf %get3A_7, %mul3A : vector<5000x128xf32>
    %get3A_11 = arith.constant 0 : index
    %get3A_12 = arith.constant 0 : index
    %get3A_13 = vector.load %arg1[%get3A_11, %get3A_12] : memref<5000x128xf32, #tpu.memory_space<vmem>>, vector<5000x128xf32>
    %get3A_14 = arith.constant 0 : index
    %get3A_15 = arith.constant 0 : index
    %get3A_16 = vector.load %arg4[%get3A_14, %get3A_15] : memref<128x128xf32, #tpu.memory_space<vmem>>, vector<128x128xf32>
    %dot_general3A = arith.constant dense<0.000000e+00> : vector<5000x128xf32>
    %dot_general3A_17 = tpu.matmul %mul3A_10, %get3A_16, %dot_general3A {dimension_numbers = #tpu.dot_dimension_numbers<[1], [0], [0], [1], [0, 0, 1, 1], [], []>, transpose_lhs_hint = false} : vector<5000x128xf32>, vector<128x128xf32>, vector<5000x128xf32> -> vector<5000x128xf32>
    %add3A = arith.addf %get3A_13, %dot_general3A_17 : vector<5000x128xf32>
    %swap3A = arith.constant 0 : index
    %swap3A_18 = arith.constant 0 : index
    %swap3A_19 = vector.load %arg5[%swap3A, %swap3A_18] : memref<5000x128xf32, #tpu.memory_space<vmem>>, vector<5000x128xf32>
    tpu.vector_store %arg5[%swap3A, %swap3A_18], %add3A {strides = array<i32>} : memref<5000x128xf32, #tpu.memory_space<vmem>>, vector<5000x128xf32>,
    return
  }
  func.func @transform_0(%arg0: i32) -> (i32, i32) {
    %c0_i32 = arith.constant 0 : i32
    %c0_i32_0 = arith.constant 0 : i32
    return %arg0, %c0_i32 : i32, i32
  }
  func.func @transform_1(%arg0: i32) -> (i32, i32) {
    %c0_i32 = arith.constant 0 : i32
    %c0_i32_0 = arith.constant 0 : i32
    return %arg0, %c0_i32 : i32, i32
  }
  func.func @transform_2(%arg0: i32) -> (i32, i32) {
    %c0_i32 = arith.constant 0 : i32
    %c0_i32_0 = arith.constant 0 : i32
    return %arg0, %c0_i32 : i32, i32
  }
  func.func @transform_3(%arg0: i32) -> (i32, i32) {
    %c0_i32 = arith.constant 0 : i32
    %c0_i32_0 = arith.constant 0 : i32
    %c0_i32_1 = arith.constant 0 : i32
    return %c0_i32, %c0_i32_0 : i32, i32
  }
  func.func @transform_4(%arg0: i32) -> (i32, i32) {
    %c0_i32 = arith.constant 0 : i32
    %c0_i32_0 = arith.constant 0 : i32
    return %arg0, %c0_i32 : i32, i32
  }
}

</mosaic_0001>

<sc_bundles>
// kernel: kernel.11.cloned.1.call-start
scs
__scs_entry_jumppad:
0x0: {  	(pc) =	sbr.rel $0x88, $3  }
0x1: {  	(tag) =	ssettag $0x0;
	lr =	simm.s32 $0x1  }
0x2: {  	[smem:$0x3F9B] =	sst lr;
	_ =	strace $0xD0000000  }
0x3: {  	_ = 	snop  }
0x4: {  	_ = 	snop  }
0x5: {  	_ = 	snop  }
0x6: {  	_ = 	snop  }
0x7: {  	_ = 	snop  }
__scs_overlays_trampoline_lowered:
0x8: {  	[smem:$0x3FAA] =	sst s0  }
0x9: {  	[smem:$0x3FAB] =	sst s1  }
0xa: {  	[smem:$0x3FAC] =	sst s2  }
0xb: {  	[smem:$0x3FAD] =	sst s3  }
0xc: {  	[smem:$0x3FAE] =	sst s4  }
0xd: {  	[smem:$0x3FAF] =	sst s5  }
0xe: {  	[smem:$0x3FB0] =	sst s6  }
0xf: {  	[smem:$0x3FB1] =	sst s7  }
0x10: {  	[smem:$0x3FB2] =	sst s8  }
0x11: {  	[smem:$0x3FB3] =	sst s9;
	s0 =	simm.s32 @!p0 $0x0  }
0x12: {  	s1 =	sld [smem:$0x3F99];
	s0 =	simm.s32 @p0 $0x1  }
0x13: {  	[smem:$0x3FB4] =	sst s0;
	s0 =	simm.s32 @!p1 $0x0  }
0x14: {  	s2 =	sld [smem:$0x3F98];
	s0 =	simm.s32 @p1 $0x1  }
0x15: {  	[smem:$0x3FB5] =	sst s0;
	s0 =	simm.s32 @!p2 $0x0  }
0x16: {  	s3 =	sld [smem:$0x3FDB];
	s0 =	simm.s32 @p2 $0x1  }
0x17: {  	s4 =	simm.s32 $0x1BF5;
	[smem:$0x3FB7] =	sst s0  }
0x18: {  	s0 =	sld [smem:$0x3F9A];
	_ =	swait.ge [sflag:s4], $0x0  }
0x19: {  	s7 =	sld [smem:$0x3F9B]  }
0x1a: {  	s8 =	sadd.s32 $0xFFFFE003, lr  }
0x1b: {  	s9 =	sadd.s32 $0xFFFFFEF7, lr;
	s5 =	simm.s32 $0xFFFFFFFF;
	p2 =	slt.u32 s8, $0xFFFFF086  }
0x1c: {  	p1 =	slt.u32 s9, $0xF7A;
	s5 =	simm.s32 @!p2 $0x0  }
0x1d: {  	s5 =	simm.s32 @p1 $0x1;
	p0 =	seq.s32 s7, s2  }
0x1e: {  	s7 =	smul.u32 @!p0 $0xF7A, s2;
	p2 =	seq.s32 @!p0 s5, $0x0  }
0x1f: {  	s9 =	smul.u32 $0xF7A, s1;
	s8 =	simm.s32 @!p0 $0x1BF5;
	p2 =	por !p2, p0  }
0x20: {  	[sflag:s8] =	ssyncset.s32 @!p0 $0xFFFFF086;
	s6 =	sadd.s32 @!p0 s3, s7;
	s7 =	simm.s32 @!p0 $0x108  }
0x21: {  	s3 =	sadd.s32 s3, s9;
	s6 =	sadd.s32 @!p0 $0x88, s6;
	s7 =	simm.s32 @p2 $0x1082  }
0x22: {  	[simem:s7], [sflag:s8] =	dma.local @!p0 [hbm:s6], $0xF7A  }
0x23: {  	s9 =	sor.u32 $0xD0000000, s2;
	s6 =	simm.s32 $0x108;
	_ =	swait.ge @!p0 [sflag:s8], $0x0  }
0x24: {  	s3 =	sadd.s32 $0x88, s3;
	s6 =	simm.s32 @!p1 $0x1082;
	[sflag:s4] =	ssyncset.s32 $0xFFFFF086  }
0x25: {  	[simem:s6], [sflag:s4] =	dma.local [hbm:s3], $0xF7A  }
0x26: {  	[smem:$0x3F9B] =	sst s1;
	(tag) =	ssettag s2;
	_ =	strace s9  }
0x27: {  	s1 =	sld [smem:$0x3FAB]  }
0x28: {  	s2 =	sld [smem:$0x3FAC]  }
0x29: {  	s4 =	sld [smem:$0x3FAE]  }
0x2a: {  	p0 =	seq.s32 s5, $0x0;
	s5 =	sld [smem:$0x3FAF]  }
0x2b: {  	s6 =	sld [smem:$0x3FB0]  }
0x2c: {  	s7 =	sld [smem:$0x3FB1]  }
0x2d: {  	s3 =	simm.s32 $0x108;
	s8 =	sld [smem:$0x3FB2]  }
0x2e: {  	s3 =	simm.s32 @!p0 $0x1082;
	s9 =	sld [smem:$0x3FB3]  }
0x2f: {  	lr =	sadd.s32 s0, s3;
	s0 =	sld [smem:$0x3FAA]  }
0x30: {  	s3 =	sld [smem:$0x3FAD]  }
0x31: {  	[smem:$0x3FB6] =	sst s10  }
0x32: {  	s10 =	sld [smem:$0x3FB4];
	_ =	sdelay $0x3  }
0x33: {  	p0 =	seq.s32 s10, $0x1;
	s10 =	sld [smem:$0x3FB6];
	_ =	sdelay $0x3  }
0x34: {  	[smem:$0x3FB6] =	sst s10  }
0x35: {  	s10 =	sld [smem:$0x3FB5];
	_ =	sdelay $0x3  }
0x36: {  	p1 =	seq.s32 s10, $0x1;
	s10 =	sld [smem:$0x3FB6];
	_ =	sdelay $0x3  }
0x37: {  	[smem:$0x3FB6] =	sst s10  }
0x38: {  	s10 =	sld [smem:$0x3FB7]  }
0x39: {  	_ = 	snop;
	(pc) =	sbr.ind lr, $3  }
0x3a: {  	_ = 	snop  }
0x3b: {  	_ = 	snop  }
0x3c: {  	p2 =	seq.s32 s10, $0x1;
	s10 =	sld [smem:$0x3FB6]  }
0x3d: {  	_ =	shalt  }
0x3e: {  	_ =	shalt  }
0x3f: {  	_ =	shalt  }
0x40: {  	_ =	shalt  }
0x41: {  	_ =	shalt  }
0x42: {  	_ =	shalt  }
0x43: {  	_ =	shalt  }
0x44: {  	_ =	shalt  }
0x45: {  	_ =	shalt  }
0x46: {  	_ =	shalt  }
0x47: {  	_ =	shalt  }
0x48: {  	_ =	shalt  }
0x49: {  	_ =	shalt  }
0x4a: {  	_ =	shalt  }
0x4b: {  	_ =	shalt  }
0x4c: {  	_ =	shalt  }
0x4d: {  	_ =	shalt  }
0x4e: {  	_ =	shalt  }
0x4f: {  	_ =	shalt  }
0x50: {  	_ =	shalt  }
0x51: {  	_ =	shalt  }
0x52: {  	_ =	shalt  }
0x53: {  	_ =	shalt  }
0x54: {  	_ =	shalt  }
0x55: {  	_ =	shalt  }
0x56: {  	_ =	shalt  }
0x57: {  	_ =	shalt  }
0x58: {  	_ =	shalt  }
0x59: {  	_ =	shalt  }
0x5a: {  	_ =	shalt  }
0x5b: {  	_ =	shalt  }
0x5c: {  	_ =	shalt  }
0x5d: {  	_ =	shalt  }
0x5e: {  	_ =	shalt  }
0x5f: {  	_ =	shalt  }
0x60: {  	_ =	shalt  }
0x61: {  	_ =	shalt  }
0x62: {  	_ =	shalt  }
0x63: {  	_ =	shalt  }
0x64: {  	_ =	shalt  }
0x65: {  	_ =	shalt  }
0x66: {  	_ =	shalt  }
0x67: {  	_ =	shalt  }
0x68: {  	_ =	shalt  }
0x69: {  	_ =	shalt  }
0x6a: {  	_ =	shalt  }
0x6b: {  	_ =	shalt  }
0x6c: {  	_ =	shalt  }
0x6d: {  	_ =	shalt  }
0x6e: {  	_ =	shalt  }
0x6f: {  	_ =	shalt  }
0x70: {  	_ =	shalt  }
0x71: {  	_ =	shalt  }
0x72: {  	_ =	shalt  }
0x73: {  	_ =	shalt  }
0x74: {  	_ =	shalt  }
0x75: {  	_ =	shalt  }
0x76: {  	_ =	shalt  }
0x77: {  	_ =	shalt  }
0x78: {  	_ =	shalt  }
0x79: {  	_ =	shalt  }
0x7a: {  	_ =	shalt  }
0x7b: {  	_ =	shalt  }
0x7c: {  	_ =	shalt  }
0x7d: {  	_ =	shalt  }
0x7e: {  	_ =	shalt  }
0x7f: {  	_ =	shalt  }
0x80: {  	_ =	shalt  }
0x81: {  	_ =	shalt  }
0x82: {  	_ =	shalt  }
0x83: {  	_ =	shalt  }
0x84: {  	_ =	shalt  }
0x85: {  	_ =	shalt  }
0x86: {  	_ =	shalt  }
0x87: {  	_ =	shalt  }
.Lfunc_end0:
.L_simem_size_0:
called_computation.1_lowered:
.L_overlay_start_0:
0x88: {  	s2 =	sld [smem:$0x3FD9]  }
0x89: {  	s3 =	sld [smem:$0x3FFE];
	_ =	sdelay $0x1  }
0x8a: {  	s1 =	srdreg.scid  }
0x8b: {  	s0 =	sand.u32 $0x1, s1  }
0x8c: {  	s17 =	sshll.u32 s0, $0xA;
	s2 =	sadd.s32 s3, s2  }
0x8d: {  	s2 =	sadd.s32 s2, s17  }
0x8e: {  	[smem:$0x3FC2] =	sst s2  }
0x8f: {  	_ = 	snop  }
0x90: {  	s2 =	sld [smem:$0x3FD0];
	(tm) =	ssettm $0x1  }
0x91: {  	s18 =	sld [smem:$0x3FFB];
	_ =	sdelay $0x3  }
0x92: {  	_ =	strace s18  }
0x93: {  	s3 =	sld [smem:$0x3FFC];
	_ =	sdelay $0x3  }
0x94: {  	_ =	strace s3  }
0x95: {  	s3 =	sld [smem:$0x3FFD];
	_ =	sdelay $0x3  }
0x96: {  	_ =	strace s3  }
0x97: {  	_ =	strace $0x8FFFFFFF  }
0x98: {  	s19 =	sld [smem:$0x3FDB];
	_ =	sdelay $0x1  }
0x99: {  	s4 =	simm.s32 $_scs_section_size  }
0x9a: {  	s5 =	simm.s32 $_size__tile_overlayer_lowered;
	s6 =	simm.s32 $_tile_overlayer_lowered  }
0x9b: {  	s22 =	simm.s32 $0x1BFF;
	s21 =	sshll.u32 s6, $0x1;
	s3 =	sadd.s32 s4, s19  }
0x9c: {  	s7 =	simm.s32 $0x0;
	s20 =	sshll.u32 s5, $0x1;
	s5 =	sadd.s32 s21, s3  }
0x9d: {  	[timem:s7], [sflag:s22] =	dma.local [hbm:s5], s20  }
0x9e: {  	_ =	swait.ge [sflag:s22], s20  }
0x9f: {  	s4 =	ssub.s32 $0x0, s20;
	[sflag:s22] =	ssyncset.done $0x0  }
0xa0: {  	[sflag:s22] =	ssyncadd.s32 s4;
	_ =	sdelay $0x1  }
0xa1: {  	s23 =	simm.s32 $0x1B8B  }
0xa2: {  	_ =	swait.ge [sflag:s23], $0x1  }
0xa3: {  	[sflag:s23] =	ssyncset.done $0x0  }
0xa4: {  	s25 =	simm.s32 $0x1B8E;
	s24 =	sld [smem:$0x3FFE];
	[sflag:s23] =	ssyncadd.s32 $0xFFFFFFFF  }
0xa5: {  	s26 =	simm.s32 $execute0_lowered;
	[smem:$0x3FD2] =	sst s25  }
0xa6: {  	s5 =	sshll.u32 s26, $0x1;
	_ =	strace $0x80000049;
	[dreg:$0x1] =	wrdreg $0xFFFFFFFF  }
0xa7: {  	s28 =	simm.s32 $_size_execute0_lowered;
	s3 =	sadd.s32 s3, s5;
	[dreg:$0x0] =	wrdreg $0x0  }
0xa8: {  	s5 =	sshll.u32 s28, $0x1;
	[dreg:$0x2] =	wrdreg s3  }
0xa9: {  	[dreg:$0x3] =	wrdreg s5  }
0xaa: {  	[dreg:$0x4] =	wrdreg $0xC0  }
0xab: {  	_ =	task [dreg:s7], $0x5FFFF  }
0xac: {  	[dreg:$0x1] =	wrdreg $0xFFFFFFFF  }
0xad: {  	[dreg:$0x0] =	wrdreg $0x60  }
0xae: {  	[dreg:$0x2] =	wrdreg s2  }
0xaf: {  	[dreg:$0x3] =	wrdreg s24  }
0xb0: {  	[dreg:$0x4] =	wrdreg $0x150400  }
0xb1: {  	[dreg:$0x5] =	wrdreg $0x9  }
0xb2: {  	_ =	task.clear_ibuf [dreg:s7], $0x6FFFF;
	_ =	strace $0x90000049  }
0xb3: {  	s29 =	simm.s32 $0x9;
	_ =	strace $0x8000004B  }
0xb4: {  	_ =	swait.ge [sflag:s29], $0x1  }
0xb5: {  	[sflag:s29] =	ssyncadd.s32 $0xFFFFFFFF  }
0xb6: {  	_ =	strace $0x9000004B  }
0xb7: {  	_ =	sfence  }
0xb8: {  	s30 =	sld [smem:$0x0];
	_ =	sdelay $0x2  }
0xb9: {  	s31 =	sshll.u32 s1, $0xD;
	s1 =	sshrl.u32 s1, $0x2  }
0xba: {  	s3 =	sand.u32 $0x4000, s31;
	s1 =	sadd.s32 s1, s30  }
0xbb: {  	s0 =	sor.u32 s3, s0;
	s1 =	sshll.u32 s1, $0x11  }
0xbc: {  	s0 =	sor.u32 s1, s0  }
0xbd: {  	s0 =	sadd.s32 $0x8F2B, s0  }
0xbe: {  	[sflag:s0] =	ssyncadd.remote.s32 $0x1  }
0xbf: {  	_ =	sfence.sel $0xFFFF  }
0xc0: {  	[dreg:$0x0] =	wrdreg $0xFFFFFFFF;
	(pc) =	sbr.abs _section_cstart, $3  }
0xc1: {  	[dreg:$0x1] =	wrdreg $0xFFFFFFFF  }
0xc2: {  	_ =	task.clear_ibuf [dreg:s7], $0x2FFFF;
	_ =	strace $0x9FFFFFFF  }
0xc3: {  	(tm) =	ssettm $0x7FFFFFFF  }
tec
execute0_lowered:
.L_overlay_start_1:
0x0: {  	(tag) =	ssettag $0x1  }
0x1: {  	s1 =	rddreg [dreg:$0x0]  }
0x2: {  	s0 =	rddreg [dreg:$0x1];
	s2 =	srdreg.scid  }
0x3: {  	s9 =	stileid.u32;
	s3 =	rddreg [dreg:$0x2];
	s6 =	simm.s32 $0x0  }
0x4: {  	s29 =	simm.s32 $0xBF40;
	s31 =	simm.s32 $0xDE80;
	s28 =	simm.s32 $0x11D00  }
0x5: {  	s30 =	simm.s32 $0x1;
	s11 =	simm.s32 $0x9;
	s4 =	smul.u32 $0x5000, s9  }
0x6: {  	s2 =	sand.u32 $0x1, s2;
	[smem:$0x7FF] =	sst s6;
	s13 =	smul.u32 $0x14000, s9  }
0x7: {  	s8 =	smul.u32 $0x28000, s9;
	s10 =	sadd.s32 $0x96000, s3;
	s26 =	sadd.s32 $0x97400, s3  }
0x8: {  	p0 =	seq.s32 s9, $0xF;
	s9 =	simm.s32 $0x8;
	s5 =	smul.u32 $0x50000, s2  }
0x9: {  	_ =	strace $0x8000004A;
	s12 =	ssub.s32 $0x2, s2;
	s14 =	sshll.u32 s2, $0x6  }
0xa: {  	s2 =	sshll.u32 s2, $0x3;
	[dreg:$0x10] =	wrdreg s26;
	s26 =	simm.s32 $0xA000  }
0xb: {  	s7 =	sshrl.u32 s12, $0x1;
	s15 =	sor.u32 s14, s13;
	s16 =	sshrl.u32 s8, $0x2  }
0xc: {  	s13 =	simm.s32 $0x0;
	s5 =	sadd.s32 s4, s5;
	s6 =	ssub.s32 s12, s7  }
0xd: {  	s4 =	sshrl.u32 s4, $0x3;
	s8 =	sadd.s32 s16, s3;
	s18 =	smax.u32 s6, $0x1  }
0xe: {  	s7 =	simm.s32 $0x7;
	s19 =	sadd.s32 $0x1400, s8;
	[dreg:$0x8] =	wrdreg s18  }
0xf: {  	s12 =	simm.s32 $0xA;
	s20 =	sadd.s32 $0x2800, s8;
	[dreg:$0x9] =	wrdreg s19  }
0x10: {  	s5 =	sshrl.u32 s5, $0x3;
	s21 =	sadd.s32 $0x3C00, s8;
	[dreg:$0xa] =	wrdreg s20  }
0x11: {  	s4 =	sadd.s32 s4, s0;
	s22 =	sadd.s32 $0x5000, s8;
	[dreg:$0xb] =	wrdreg s21  }
0x12: {  	s23 =	sadd.s32 $0x6400, s8;
	s24 =	sadd.s32 $0x7800, s8;
	[dreg:$0xc] =	wrdreg s22  }
0x13: {  	s25 =	sadd.s32 $0x8C00, s8;
	s6 =	simm.s32 $0x6;
	[dreg:$0xd] =	wrdreg s23  }
0x14: {  	s5 =	sadd.s32 s5, s0;
	s0 =	sadd.s32 $0x20000, s0;
	[dreg:$0xe] =	wrdreg s24  }
0x15: {  	s4 =	sadd.s32 $0x16000, s4;
	[dreg:$0xf] =	wrdreg s25;
	s20 =	sadd.s32 $0x98800, s3  }
0x16: {  	s21 =	sadd.s32 $0x99C00, s3;
	s22 =	sadd.s32 $0x9B000, s3;
	s24 =	simm.s32 $0xC  }
0x17: {  	s25 =	simm.s32 $0x7D;
	s23 =	simm.s32 $0xFDC0;
	s5 =	sadd.s32 $0x2000, s5  }
0x18: {  	[dreg:$0x5] =	wrdreg s4;
	s4 =	sshrl.u32 s15, $0x3;
	s2 =	sadd.s32 s2, s0  }
0x19: {  	[dreg:$0x4] =	wrdreg s5;
	s0 =	sadd.s32 s0, s4;
	s17 =	sadd.s32 $0x25800, s2  }
0x1a: {  	s2 =	simm.s32 $0x2;
	s4 =	simm.s32 $0x4;
	[dreg:$0x6] =	wrdreg s0  }
0x1b: {  	v0 =	vimm.f32 $0.0e+00;
	s5 =	simm.s32 $0x5;
	[dreg:$0x7] =	wrdreg s17;
	s0 =	simm.s32 $0x3  }
.LBB2_1:
0x1c: {  	s14 =	simm.s32 $0x0;
	s15 =	rddreg [dreg:$0x4]  }
0x1d: {  	[tilespmem:s14], [sflag:$0xB] =	stream.linear.gather [hbm4b:s15+s14], $0x5000, $0x38;
	[tilespmem:$0x1EC80] =	vst v63  }
0x1e: {  	s19 =	rddreg [dreg:$0x5];
	s16 =	simm.s32 $0x5000  }
0x1f: {  	[tilespmem:s16], [sflag:$0xB] =	stream.linear.gather [hbm4b:s19+s14], $0x5000, $0x38;
	[tilespmem:$0x1EC80] =	vst v63  }
0x20: {  	s15 =	simm.s32 $0x100;
	s14 =	simm.s32 $0x0  }
.LBB2_2:
0x21: {  	p1 =	sne.s32 s15, $0x4F00;
	[tilespmem:s14+$0x13C70] =	vst v0;
	s16 =	smov.u32 s15;
	s15 =	sadd.s32 $0x100, s15  }
.Ltmp0:
0x22: {  	[tilespmem:s14+$0x13C60] =	vst v0;
	(pc) =	sbr.rel @p1 .LBB2_2-.Ltmp0, $3  }
0x23: {  	[tilespmem:s14+$0x13C40] =	vst v0  }
0x24: {  	[tilespmem:s14+$0x13C50] =	vst v0;
	_ =	sdelay $0x1  }
0x25: {  	s14 =	sshra.s32 s16, $0x2  }
0x26: {  	[tilespmem:s14+$0x13C70] =	vst v0  }
0x27: {  	[tilespmem:s14+$0x13C60] =	vst v0  }
0x28: {  	[tilespmem:s14+$0x13C40] =	vst v0  }
0x29: {  	[tilespmem:s14+$0x13C50] =	vst v0;
	s14 =	simm.s32 @p0 $0x13C40  }
0x2a: {  	[spmem:s10] =	stream.linear.scatter @p0 [tilespmem:s14], [sflag:$0xC], $0x1400, $0x38;
	[tilespmem:$0x1EC80] =	vst v63  }
0x2b: {  	s15 =	rddreg [dreg:$0x10]  }
0x2c: {  	[spmem:s15] =	stream.linear.scatter @p0 [tilespmem:s14], [sflag:$0xC], $0x1400, $0x38;
	[tilespmem:$0x1EC80] =	vst v63  }
0x2d: {  	_ = 	snop  }
0x2e: {  	[spmem:s20] =	stream.linear.scatter @p0 [tilespmem:s14], [sflag:$0xC], $0x1400, $0x38;
	[tilespmem:$0x1EC80] =	vst v63  }
0x2f: {  	_ = 	snop  }
0x30: {  	[spmem:s21] =	stream.linear.scatter @p0 [tilespmem:s14], [sflag:$0xC], $0x1400, $0x38;
	[tilespmem:$0x1EC80] =	vst v63  }
0x31: {  	_ = 	snop  }
0x32: {  	[spmem:s22] =	stream.linear.scatter @p0 [tilespmem:s14], [sflag:$0xC], $0x1400, $0x38;
	[tilespmem:$0x1EC80] =	vst v63  }
0x33: {  	s14 =	simm.s32 @p0 $0xB  }
0x34: {  	_ =	swait.ge @p0 [sflag:s14], $0x5000  }
0x35: {  	[sflag:s14] =	ssyncset.done @p0 $0x0  }
0x36: {  	[sflag:s14] =	ssyncadd.s32 @p0 $0xFFFFB000  }
0x37: {  	_ =	swait.ge @p0 [sflag:s14], $0x5000  }
0x38: {  	[sflag:s14] =	ssyncset.done @p0 $0x0  }
0x39: {  	[sflag:s14] =	ssyncadd.s32 @p0 $0xFFFFB000;
	s14 =	simm.s32 @!p0 $0x13C40  }
0x3a: {  	[spmem:s8] =	stream.linear.scatter @!p0 [tilespmem:s14], [sflag:$0xC], $0x1400, $0x38;
	[tilespmem:$0x1EC80] =	vst v63  }
0x3b: {  	s15 =	rddreg [dreg:$0x9]  }
0x3c: {  	[spmem:s15] =	stream.linear.scatter @!p0 [tilespmem:s14], [sflag:$0xC], $0x1400, $0x38;
	[tilespmem:$0x1EC80] =	vst v63  }
0x3d: {  	s15 =	rddreg [dreg:$0xa]  }
0x3e: {  	[spmem:s15] =	stream.linear.scatter @!p0 [tilespmem:s14], [sflag:$0xC], $0x1400, $0x38;
	[tilespmem:$0x1EC80] =	vst v63  }
0x3f: {  	s15 =	rddreg [dreg:$0xb]  }
0x40: {  	[spmem:s15] =	stream.linear.scatter @!p0 [tilespmem:s14], [sflag:$0xC], $0x1400, $0x38;
	[tilespmem:$0x1EC80] =	vst v63  }
0x41: {  	s15 =	rddreg [dreg:$0xc]  }
0x42: {  	[spmem:s15] =	stream.linear.scatter @!p0 [tilespmem:s14], [sflag:$0xC], $0x1400, $0x38;
	[tilespmem:$0x1EC80] =	vst v63  }
0x43: {  	s15 =	rddreg [dreg:$0xd]  }
0x44: {  	[spmem:s15] =	stream.linear.scatter @!p0 [tilespmem:s14], [sflag:$0xC], $0x1400, $0x38;
	[tilespmem:$0x1EC80] =	vst v63  }
0x45: {  	s15 =	rddreg [dreg:$0xe]  }
0x46: {  	[spmem:s15] =	stream.linear.scatter @!p0 [tilespmem:s14], [sflag:$0xC], $0x1400, $0x38;
	[tilespmem:$0x1EC80] =	vst v63  }
0x47: {  	s15 =	rddreg [dreg:$0xf]  }
0x48: {  	[spmem:s15] =	stream.linear.scatter @!p0 [tilespmem:s14], [sflag:$0xC], $0x1400, $0x38;
	[tilespmem:$0x1EC80] =	vst v63  }
0x49: {  	s14 =	simm.s32 @!p0 $0xB  }
0x4a: {  	_ =	swait.ge @!p0 [sflag:s14], $0x5000  }
0x4b: {  	[sflag:s14] =	ssyncset.done @!p0 $0x0  }
0x4c: {  	[sflag:s14] =	ssyncadd.s32 @!p0 $0xFFFFB000  }
0x4d: {  	_ =	swait.ge @!p0 [sflag:s14], $0x5000  }
0x4e: {  	[sflag:s14] =	ssyncset.done @!p0 $0x0  }
0x4f: {  	[sflag:s14] =	ssyncadd.s32 @!p0 $0xFFFFB000;
	s14 =	simm.s32 @!p0 $0xC  }
0x50: {  	_ =	swait.ge @!p0 [sflag:s14], $0x1400  }
0x51: {  	[sflag:s14] =	ssyncset.done @!p0 $0x0  }
0x52: {  	[sflag:s14] =	ssyncadd.s32 @!p0 $0xFFFFEC00  }
0x53: {  	_ =	swait.ge @!p0 [sflag:s14], $0x1400  }
0x54: {  	[sflag:s14] =	ssyncset.done @!p0 $0x0  }
0x55: {  	[sflag:s14] =	ssyncadd.s32 @!p0 $0xFFFFEC00  }
0x56: {  	_ =	swait.ge @!p0 [sflag:s14], $0x1400  }
0x57: {  	[sflag:s14] =	ssyncset.done @!p0 $0x0  }
0x58: {  	[sflag:s14] =	ssyncadd.s32 @!p0 $0xFFFFEC00  }
0x59: {  	_ =	swait.ge [sflag:s24], $0x1400  }
0x5a: {  	[sflag:s24] =	ssyncset.done $0x0  }
0x5b: {  	[sflag:s24] =	ssyncadd.s32 $0xFFFFEC00  }
0x5c: {  	_ =	swait.ge [sflag:s24], $0x1400  }
0x5d: {  	[sflag:s24] =	ssyncset.done $0x0  }
0x5e: {  	[sflag:s24] =	ssyncadd.s32 $0xFFFFEC00  }
0x5f: {  	_ =	swait.ge [sflag:s24], $0x1400  }
0x60: {  	[sflag:s24] =	ssyncset.done $0x0  }
0x61: {  	[sflag:s24] =	ssyncadd.s32 $0xFFFFEC00  }
0x62: {  	_ =	swait.ge [sflag:s24], $0x1400  }
0x63: {  	[sflag:s24] =	ssyncset.done $0x0  }
0x64: {  	[sflag:s24] =	ssyncadd.s32 $0xFFFFEC00  }
0x65: {  	_ =	swait.ge [sflag:s24], $0x1400  }
0x66: {  	[sflag:s24] =	ssyncset.done $0x0  }
0x67: {  	[sflag:s24] =	ssyncadd.s32 $0xFFFFEC00  }
0x68: {  	s16 =	simm.s32 $0x0;
	[bflag:$0x0] =	sbarrier.arrive $0xFFFF  }
0x69: {  	[tilespmem:s26], [sflag:$0x1] =	stream.indirect.gather [hbm4b:s1+s25], $0x40, s16, s25, $0xb8;
	[tilespmem:$0x1EC80] =	vst v63  }
0x6a: {  	s17 =	simm.s32 $0x80  }
0x6b: {  	[tilespmem:s29], [sflag:$0x2] =	stream.indirect.gather [hbm4b:s1+s25], $0x40, s17, s25, $0xb8;
	[tilespmem:$0x1EC80] =	vst v63  }
0x6c: {  	s18 =	simm.s32 $0x100  }
0x6d: {  	[tilespmem:s31], [sflag:$0x3] =	stream.indirect.gather [hbm4b:s1+s25], $0x40, s18, s25, $0xb8;
	[tilespmem:$0x1EC80] =	vst v63  }
0x6e: {  	s19 =	simm.s32 $0x180  }
0x6f: {  	[tilespmem:s23], [sflag:$0x4] =	stream.indirect.gather [hbm4b:s1+s25], $0x40, s19, s25, $0xb8;
	[tilespmem:$0x1EC80] =	vst v63  }
0x70: {  	s15 =	simm.s32 $0x200  }
0x71: {  	[tilespmem:s28], [sflag:$0x5] =	stream.indirect.gather [hbm4b:s1+s25], $0x40, s15, s25, $0xb8;
	[tilespmem:$0x1EC80] =	vst v63  }
0x72: {  	_ =	swait.ge [sflag:s30], $0x1F40  }
0x73: {  	[sflag:s30] =	ssyncset.done $0x0  }
0x74: {  	s16 =	simm.s32 $0x5000;
	[sflag:s30] =	ssyncadd.s32 $0xFFFFE0C0  }
0x75: {  	[spmem:s3] =	stream.indirect.scatter.add.f32 [tilespmem:s26], [sflag:$0x6], $0x40, s16, s25, $0xb8;
	[tilespmem:$0x1EC80] =	vst v63  }
0x76: {  	_ =	swait.ge [sflag:s2], $0x1F40  }
0x77: {  	[sflag:s2] =	ssyncset.done $0x0  }
0x78: {  	s17 =	simm.s32 $0x5080;
	[sflag:s2] =	ssyncadd.s32 $0xFFFFE0C0  }
0x79: {  	[spmem:s3] =	stream.indirect.scatter.add.f32 [tilespmem:s29], [sflag:$0x7], $0x40, s17, s25, $0xb8;
	[tilespmem:$0x1EC80] =	vst v63  }
0x7a: {  	_ =	swait.ge [sflag:s0], $0x1F40  }
0x7b: {  	[sflag:s0] =	ssyncset.done $0x0  }
0x7c: {  	s18 =	simm.s32 $0x5100;
	[sflag:s0] =	ssyncadd.s32 $0xFFFFE0C0  }
0x7d: {  	[spmem:s3] =	stream.indirect.scatter.add.f32 [tilespmem:s31], [sflag:$0x8], $0x40, s18, s25, $0xb8;
	[tilespmem:$0x1EC80] =	vst v63  }
0x7e: {  	_ =	swait.ge [sflag:s4], $0x1F40  }
0x7f: {  	[sflag:s4] =	ssyncset.done $0x0  }
0x80: {  	s19 =	simm.s32 $0x5180;
	[sflag:s4] =	ssyncadd.s32 $0xFFFFE0C0  }
0x81: {  	[spmem:s3] =	stream.indirect.scatter.add.f32 [tilespmem:s23], [sflag:$0x9], $0x40, s19, s25, $0xb8;
	[tilespmem:$0x1EC80] =	vst v63  }
0x82: {  	_ =	swait.ge [sflag:s5], $0x1F40  }
0x83: {  	[sflag:s5] =	ssyncset.done $0x0  }
0x84: {  	s15 =	simm.s32 $0x5200;
	[sflag:s5] =	ssyncadd.s32 $0xFFFFE0C0  }
0x85: {  	[spmem:s3] =	stream.indirect.scatter.add.f32 [tilespmem:s28], [sflag:$0xA], $0x40, s15, s25, $0xb8;
	[tilespmem:$0x1EC80] =	vst v63  }
0x86: {  	_ =	swait.ge [sflag:s6], $0x1F40  }
0x87: {  	[sflag:s6] =	ssyncset.done $0x0  }
0x88: {  	s16 =	simm.s32 $0x280;
	[sflag:s6] =	ssyncadd.s32 $0xFFFFE0C0  }
0x89: {  	[tilespmem:s26], [sflag:$0x1] =	stream.indirect.gather [hbm4b:s1+s25], $0x40, s16, s25, $0xb8;
	[tilespmem:$0x1EC80] =	vst v63  }
0x8a: {  	_ =	swait.ge [sflag:s7], $0x1F40  }
0x8b: {  	[sflag:s7] =	ssyncset.done $0x0  }
0x8c: {  	s17 =	simm.s32 $0x300;
	[sflag:s7] =	ssyncadd.s32 $0xFFFFE0C0  }
0x8d: {  	[tilespmem:s29], [sflag:$0x2] =	stream.indirect.gather [hbm4b:s1+s25], $0x40, s17, s25, $0xb8;
	[tilespmem:$0x1EC80] =	vst v63  }
0x8e: {  	_ =	swait.ge [sflag:s9], $0x1F40  }
0x8f: {  	[sflag:s9] =	ssyncset.done $0x0  }
0x90: {  	s18 =	simm.s32 $0x380;
	[sflag:s9] =	ssyncadd.s32 $0xFFFFE0C0  }
0x91: {  	[tilespmem:s31], [sflag:$0x3] =	stream.indirect.gather [hbm4b:s1+s25], $0x40, s18, s25, $0xb8;
	[tilespmem:$0x1EC80] =	vst v63  }
0x92: {  	_ =	swait.ge [sflag:s11], $0x1F40  }
0x93: {  	[sflag:s11] =	ssyncset.done $0x0  }
0x94: {  	s19 =	simm.s32 $0x400;
	[sflag:s11] =	ssyncadd.s32 $0xFFFFE0C0  }
0x95: {  	[tilespmem:s23], [sflag:$0x4] =	stream.indirect.gather [hbm4b:s1+s25], $0x40, s19, s25, $0xb8;
	[tilespmem:$0x1EC80] =	vst v63  }
0x96: {  	_ =	swait.ge [sflag:s12], $0x1F40  }
0x97: {  	[sflag:s12] =	ssyncset.done $0x0  }
0x98: {  	s14 =	simm.s32 $0xA00;
	s15 =	simm.s32 $0x480;
	[sflag:s12] =	ssyncadd.s32 $0xFFFFE0C0  }
.LBB2_4:
0x99: {  	[tilespmem:s28], [sflag:$0x5] =	stream.indirect.gather [hbm4b:s1+s25], $0x40, s15, s25, $0xb8;
	[tilespmem:$0x1EC80] =	vst v63  }
0x9a: {  	s15 =	smov.u32 s14  }
0x9b: {  	p1 =	sne.s32 s14, $0x12C00;
	s14 =	sadd.s32 $0xA00, s14;
	_ =	swait.ge [sflag:s30], $0x1F40  }
0x9c: {  	s15 =	sshra.s32 s15, $0x2;
	[sflag:s30] =	ssyncset.done $0x0  }
0x9d: {  	s16 =	sadd.s32 $0x5000, s15;
	[sflag:s30] =	ssyncadd.s32 $0xFFFFE0C0  }
0x9e: {  	[spmem:s3] =	stream.indirect.scatter.add.f32 [tilespmem:s26], [sflag:$0x6], $0x40, s16, s25, $0xb8;
	[tilespmem:$0x1EC80] =	vst v63  }
0x9f: {  	_ =	swait.ge [sflag:s2], $0x1F40  }
0xa0: {  	[sflag:s2] =	ssyncset.done $0x0  }
0xa1: {  	s16 =	sadd.s32 $0x5080, s15;
	[sflag:s2] =	ssyncadd.s32 $0xFFFFE0C0  }
0xa2: {  	[spmem:s3] =	stream.indirect.scatter.add.f32 [tilespmem:s29], [sflag:$0x7], $0x40, s16, s25, $0xb8;
	[tilespmem:$0x1EC80] =	vst v63  }
0xa3: {  	_ =	swait.ge [sflag:s0], $0x1F40  }
0xa4: {  	[sflag:s0] =	ssyncset.done $0x0  }
0xa5: {  	s16 =	sadd.s32 $0x5100, s15;
	[sflag:s0] =	ssyncadd.s32 $0xFFFFE0C0  }
0xa6: {  	[spmem:s3] =	stream.indirect.scatter.add.f32 [tilespmem:s31], [sflag:$0x8], $0x40, s16, s25, $0xb8;
	[tilespmem:$0x1EC80] =	vst v63  }
0xa7: {  	_ =	swait.ge [sflag:s4], $0x1F40  }
0xa8: {  	[sflag:s4] =	ssyncset.done $0x0  }
0xa9: {  	s16 =	sadd.s32 $0x5180, s15;
	[sflag:s4] =	ssyncadd.s32 $0xFFFFE0C0  }
0xaa: {  	[spmem:s3] =	stream.indirect.scatter.add.f32 [tilespmem:s23], [sflag:$0x9], $0x40, s16, s25, $0xb8;
	[tilespmem:$0x1EC80] =	vst v63  }
0xab: {  	_ =	swait.ge [sflag:s5], $0x1F40  }
0xac: {  	[sflag:s5] =	ssyncset.done $0x0  }
0xad: {  	s16 =	sadd.s32 $0x5200, s15;
	[sflag:s5] =	ssyncadd.s32 $0xFFFFE0C0  }
0xae: {  	[spmem:s3] =	stream.indirect.scatter.add.f32 [tilespmem:s28], [sflag:$0xA], $0x40, s16, s25, $0xb8;
	[tilespmem:$0x1EC80] =	vst v63  }
0xaf: {  	_ =	swait.ge [sflag:s6], $0x1F40  }
0xb0: {  	[sflag:s6] =	ssyncset.done $0x0  }
0xb1: {  	s16 =	sadd.s32 $0x280, s15;
	[sflag:s6] =	ssyncadd.s32 $0xFFFFE0C0  }
0xb2: {  	[tilespmem:s26], [sflag:$0x1] =	stream.indirect.gather [hbm4b:s1+s25], $0x40, s16, s25, $0xb8;
	[tilespmem:$0x1EC80] =	vst v63  }
0xb3: {  	_ =	swait.ge [sflag:s7], $0x1F40  }
0xb4: {  	[sflag:s7] =	ssyncset.done $0x0  }
0xb5: {  	s16 =	sadd.s32 $0x300, s15;
	[sflag:s7] =	ssyncadd.s32 $0xFFFFE0C0  }
0xb6: {  	[tilespmem:s29], [sflag:$0x2] =	stream.indirect.gather [hbm4b:s1+s25], $0x40, s16, s25, $0xb8;
	[tilespmem:$0x1EC80] =	vst v63  }
0xb7: {  	_ =	swait.ge [sflag:s9], $0x1F40  }
0xb8: {  	[sflag:s9] =	ssyncset.done $0x0  }
0xb9: {  	s16 =	sadd.s32 $0x380, s15;
	[sflag:s9] =	ssyncadd.s32 $0xFFFFE0C0  }
0xba: {  	[tilespmem:s31], [sflag:$0x3] =	stream.indirect.gather [hbm4b:s1+s25], $0x40, s16, s25, $0xb8;
	[tilespmem:$0x1EC80] =	vst v63  }
0xbb: {  	_ =	swait.ge [sflag:s11], $0x1F40  }
0xbc: {  	[sflag:s11] =	ssyncset.done $0x0  }
.Ltmp1:
0xbd: {  	s16 =	sadd.s32 $0x400, s15;
	[sflag:s11] =	ssyncadd.s32 $0xFFFFE0C0;
	(pc) =	sbr.rel @p1 .LBB2_4-.Ltmp1, $4  }
0xbe: {  	[tilespmem:s23], [sflag:$0x4] =	stream.indirect.gather [hbm4b:s1+s25], $0x40, s16, s25, $0xb8;
	[tilespmem:$0x1EC80] =	vst v63  }
0xbf: {  	_ =	swait.ge [sflag:s12], $0x1F40  }
0xc0: {  	[sflag:s12] =	ssyncset.done $0x0  }
0xc1: {  	s15 =	sadd.s32 $0x480, s15;
	[sflag:s12] =	ssyncadd.s32 $0xFFFFE0C0  }
0xc2: {  	[tilespmem:s28], [sflag:$0x5] =	stream.indirect.gather [hbm4b:s1+s25], $0x40, s15, s25, $0xb8;
	[tilespmem:$0x1EC80] =	vst v63  }
0xc3: {  	_ =	swait.ge [sflag:s30], $0x1F40  }
0xc4: {  	[sflag:s30] =	ssyncset.done $0x0  }
0xc5: {  	s14 =	simm.s32 $0x9D80;
	[sflag:s30] =	ssyncadd.s32 $0xFFFFE0C0  }
0xc6: {  	[spmem:s3] =	stream.indirect.scatter.add.f32 [tilespmem:s26], [sflag:$0x6], $0x40, s14, s25, $0xb8;
	[tilespmem:$0x1EC80] =	vst v63  }
0xc7: {  	_ =	swait.ge [sflag:s2], $0x1F40  }
0xc8: {  	[sflag:s2] =	ssyncset.done $0x0  }
0xc9: {  	s15 =	simm.s32 $0x9E00;
	[sflag:s2] =	ssyncadd.s32 $0xFFFFE0C0  }
0xca: {  	[spmem:s3] =	stream.indirect.scatter.add.f32 [tilespmem:s29], [sflag:$0x7], $0x40, s15, s25, $0xb8;
	[tilespmem:$0x1EC80] =	vst v63  }
0xcb: {  	_ =	swait.ge [sflag:s0], $0x1F40  }
0xcc: {  	[sflag:s0] =	ssyncset.done $0x0  }
0xcd: {  	s16 =	simm.s32 $0x9E80;
	[sflag:s0] =	ssyncadd.s32 $0xFFFFE0C0  }
0xce: {  	[spmem:s3] =	stream.indirect.scatter.add.f32 [tilespmem:s31], [sflag:$0x8], $0x40, s16, s25, $0xb8;
	[tilespmem:$0x1EC80] =	vst v63  }
0xcf: {  	_ =	swait.ge [sflag:s4], $0x1F40  }
0xd0: {  	[sflag:s4] =	ssyncset.done $0x0  }
0xd1: {  	s17 =	simm.s32 $0x9F00;
	[sflag:s4] =	ssyncadd.s32 $0xFFFFE0C0  }
0xd2: {  	[spmem:s3] =	stream.indirect.scatter.add.f32 [tilespmem:s23], [sflag:$0x9], $0x40, s17, s25, $0xb8;
	[tilespmem:$0x1EC80] =	vst v63  }
0xd3: {  	_ =	swait.ge [sflag:s5], $0x1F40  }
0xd4: {  	[sflag:s5] =	ssyncset.done $0x0  }
0xd5: {  	s18 =	simm.s32 $0x9F80;
	[sflag:s5] =	ssyncadd.s32 $0xFFFFE0C0  }
0xd6: {  	[spmem:s3] =	stream.indirect.scatter.add.f32 [tilespmem:s28], [sflag:$0xA], $0x40, s18, s25, $0xb8;
	[tilespmem:$0x1EC80] =	vst v63  }
0xd7: {  	_ =	swait.ge [sflag:s6], $0x1F40  }
0xd8: {  	[sflag:s6] =	ssyncset.done $0x0  }
0xd9: {  	[sflag:s6] =	ssyncadd.s32 $0xFFFFE0C0  }
0xda: {  	_ =	swait.ge [sflag:s7], $0x1F40  }
0xdb: {  	[sflag:s7] =	ssyncset.done $0x0  }
0xdc: {  	[sflag:s7] =	ssyncadd.s32 $0xFFFFE0C0  }
0xdd: {  	_ =	swait.ge [sflag:s9], $0x1F40  }
0xde: {  	[sflag:s9] =	ssyncset.done $0x0  }
0xdf: {  	[sflag:s9] =	ssyncadd.s32 $0xFFFFE0C0  }
0xe0: {  	_ =	swait.ge [sflag:s11], $0x1F40  }
0xe1: {  	[sflag:s11] =	ssyncset.done $0x0  }
0xe2: {  	[sflag:s11] =	ssyncadd.s32 $0xFFFFE0C0  }
0xe3: {  	_ =	swait.ge [sflag:s12], $0x1F40  }
0xe4: {  	[sflag:s12] =	ssyncset.done $0x0  }
0xe5: {  	s14 =	sshrl.u32 @p0 s10, $0x3;
	[sflag:s12] =	ssyncadd.s32 $0xFFFFE0C0  }
0xe6: {  	s15 =	simm.s32 @p0 $0x1;
	s16 =	simm.s32 @p0 $0x10;
	[bflag:$0x0] =	sbarrier.arrive $0xFFFF  }
0xe7: {  	s17 =	simm.s32 @p0 $0x8;
	s18 =	simm.s32 @p0 $0x1FCD;
	s19 =	rddreg [dreg:$0x7]  }
0xe8: {  	[hbm:s19@s16], [sflag:s18] =	dma.strided @p0 [spmem:s14@s17], $0xC80, s15, $0x8   }
0xe9: {  	s14 =	simm.s32 @p0 $0xD;
	s15 =	stileid.u32;
	s16 =	simm.s32 @!p0 $0x1  }
0xea: {  	s17 =	simm.s32 @!p0 $0x10;
	s18 =	simm.s32 @!p0 $0x8;
	_ =	swait.ge @p0 [sflag:s14], $0xC80  }
0xeb: {  	s15 =	sshll.u32 @!p0 s15, $0x6;
	[sflag:s14] =	ssyncset.done @p0 $0x0;
	s19 =	rddreg [dreg:$0x6]  }
0xec: {  	[sflag:s14] =	ssyncadd.s32 @p0 $0xFFFFF380;
	s14 =	sor.u32 @!p0 $0x1C0D, s15;
	s15 =	sshrl.u32 @!p0 s8, $0x3  }
0xed: {  	[hbm:s19@s17], [sflag:s14] =	dma.strided @!p0 [spmem:s15@s18], $0x1400, s16, $0x8   }
0xee: {  	s14 =	simm.s32 @!p0 $0xD  }
0xef: {  	_ =	swait.ge @!p0 [sflag:s14], $0x1400  }
0xf0: {  	s13 =	sadd.s32 $0x1, s13;
	s19 =	rddreg [dreg:$0x8]  }
0xf1: {  	p1 =	sne.s32 s13, s19  }
.Ltmp2:
0xf2: {  	_ = 	snop;
	(pc) =	sbr.rel @p1 .LBB2_1-.Ltmp2, $3  }
0xf3: {  	_ =	sdelay $0x1  }
0xf4: {  	[sflag:s14] =	ssyncset.done @!p0 $0x0  }
0xf5: {  	[sflag:s14] =	ssyncadd.s32 @!p0 $0xFFFFEC00  }
0xf6: {  	_ =	sfence.sel $0x180000  }
0xf7: {  	[bflag:$0x0] =	sbarrier.arrive $0xFFFF  }
0xf8: {  	_ =	strace $0x9000004A  }
0xf9: {  	s0 =	stileid.u32;
	[bflag:$0x2] =	sbarrier.arrive $0xFFFF  }
0xfa: {  	p0 =	sne.s32 s0, $0x0;
	s0 =	rddreg [dreg:$0x3]  }
0xfb: {  	s0 =	sadd.s32 @!p0 $0x100000, s0  }
0xfc: {  	[sflag:s0] =	ssyncadd.tile.s32 @!p0 $0x1;
	_ =	shalt  }
.Lfunc_end2:
_tile_overlayer_lowered:
.L_overlay_start_2:
0xfd: {  	(tag) =	ssettag $0x2  }
0xfe: {  	s0 =	rddreg [dreg:$0x0];
	s2 =	stileid.u32  }
0xff: {  	s1 =	rddreg [dreg:$0x1];
	p0 =	sne.s32 s2, $0x0  }
0x100: {  	s3 =	rddreg [dreg:$0x2];
	[bflag:$0x3] =	sbarrier.arrive $0xFFFF;
	s2 =	simm.s32 @!p0 $0x1C0D  }
0x101: {  	[timem:s3], [sflag:s2] =	dma.local @!p0 [hbm:s0], s1  }
0x102: {  	s0 =	simm.s32 @!p0 $0xD  }
0x103: {  	_ =	swait.ge @!p0 [sflag:s0], s1  }
0x104: {  	s1 =	ssub.s32 @!p0 $0x0, s1;
	[sflag:s0] =	ssyncset.done @!p0 $0x0  }
0x105: {  	[sflag:s0] =	ssyncadd.s32 @!p0 s1  }
0x106: {  	[bflag:$0x3] =	sbarrier.arrive $0xFFFF  }
0x107: {  	_ =	shalt  }

// kernel: kernel.8.cloned.1.call-start
scs
__scs_entry_jumppad:
0x0: {  	(pc) =	sbr.rel $0x88, $3  }
0x1: {  	(tag) =	ssettag $0x0;
	lr =	simm.s32 $0x1  }
0x2: {  	[smem:$0x3F9B] =	sst lr;
	_ =	strace $0xD0000000  }
0x3: {  	_ = 	snop  }
0x4: {  	_ = 	snop  }
0x5: {  	_ = 	snop  }
0x6: {  	_ = 	snop  }
0x7: {  	_ = 	snop  }
__scs_overlays_trampoline_lowered:
0x8: {  	[smem:$0x3FAA] =	sst s0  }
0x9: {  	[smem:$0x3FAB] =	sst s1  }
0xa: {  	[smem:$0x3FAC] =	sst s2  }
0xb: {  	[smem:$0x3FAD] =	sst s3  }
0xc: {  	[smem:$0x3FAE] =	sst s4  }
0xd: {  	[smem:$0x3FAF] =	sst s5  }
0xe: {  	[smem:$0x3FB0] =	sst s6  }
0xf: {  	[smem:$0x3FB1] =	sst s7  }
0x10: {  	[smem:$0x3FB2] =	sst s8  }
0x11: {  	[smem:$0x3FB3] =	sst s9;
	s0 =	simm.s32 @!p0 $0x0  }
0x12: {  	s1 =	sld [smem:$0x3F99];
	s0 =	simm.s32 @p0 $0x1  }
0x13: {  	[smem:$0x3FB4] =	sst s0;
	s0 =	simm.s32 @!p1 $0x0  }
0x14: {  	s2 =	sld [smem:$0x3F98];
	s0 =	simm.s32 @p1 $0x1  }
0x15: {  	[smem:$0x3FB5] =	sst s0;
	s0 =	simm.s32 @!p2 $0x0  }
0x16: {  	s3 =	sld [smem:$0x3FDB];
	s0 =	simm.s32 @p2 $0x1  }
0x17: {  	s4 =	simm.s32 $0x1BF5;
	[smem:$0x3FB7] =	sst s0  }
0x18: {  	s0 =	sld [smem:$0x3F9A];
	_ =	swait.ge [sflag:s4], $0x0  }
0x19: {  	s7 =	sld [smem:$0x3F9B]  }
0x1a: {  	s8 =	sadd.s32 $0xFFFFE003, lr  }
0x1b: {  	s9 =	sadd.s32 $0xFFFFFEF7, lr;
	s5 =	simm.s32 $0xFFFFFFFF;
	p2 =	slt.u32 s8, $0xFFFFF086  }
0x1c: {  	p1 =	slt.u32 s9, $0xF7A;
	s5 =	simm.s32 @!p2 $0x0  }
0x1d: {  	s5 =	simm.s32 @p1 $0x1;
	p0 =	seq.s32 s7, s2  }
0x1e: {  	s7 =	smul.u32 @!p0 $0xF7A, s2;
	p2 =	seq.s32 @!p0 s5, $0x0  }
0x1f: {  	s9 =	smul.u32 $0xF7A, s1;
	s8 =	simm.s32 @!p0 $0x1BF5;
	p2 =	por !p2, p0  }
0x20: {  	[sflag:s8] =	ssyncset.s32 @!p0 $0xFFFFF086;
	s6 =	sadd.s32 @!p0 s3, s7;
	s7 =	simm.s32 @!p0 $0x108  }
0x21: {  	s3 =	sadd.s32 s3, s9;
	s6 =	sadd.s32 @!p0 $0x88, s6;
	s7 =	simm.s32 @p2 $0x1082  }
0x22: {  	[simem:s7], [sflag:s8] =	dma.local @!p0 [hbm:s6], $0xF7A  }
0x23: {  	s9 =	sor.u32 $0xD0000000, s2;
	s6 =	simm.s32 $0x108;
	_ =	swait.ge @!p0 [sflag:s8], $0x0  }
0x24: {  	s3 =	sadd.s32 $0x88, s3;
	s6 =	simm.s32 @!p1 $0x1082;
	[sflag:s4] =	ssyncset.s32 $0xFFFFF086  }
0x25: {  	[simem:s6], [sflag:s4] =	dma.local [hbm:s3], $0xF7A  }
0x26: {  	[smem:$0x3F9B] =	sst s1;
	(tag) =	ssettag s2;
	_ =	strace s9  }
0x27: {  	s1 =	sld [smem:$0x3FAB]  }
0x28: {  	s2 =	sld [smem:$0x3FAC]  }
0x29: {  	s4 =	sld [smem:$0x3FAE]  }
0x2a: {  	p0 =	seq.s32 s5, $0x0;
	s5 =	sld [smem:$0x3FAF]  }
0x2b: {  	s6 =	sld [smem:$0x3FB0]  }
0x2c: {  	s7 =	sld [smem:$0x3FB1]  }
0x2d: {  	s3 =	simm.s32 $0x108;
	s8 =	sld [smem:$0x3FB2]  }
0x2e: {  	s3 =	simm.s32 @!p0 $0x1082;
	s9 =	sld [smem:$0x3FB3]  }
0x2f: {  	lr =	sadd.s32 s0, s3;
	s0 =	sld [smem:$0x3FAA]  }
0x30: {  	s3 =	sld [smem:$0x3FAD]  }
0x31: {  	[smem:$0x3FB6] =	sst s10  }
0x32: {  	s10 =	sld [smem:$0x3FB4];
	_ =	sdelay $0x3  }
0x33: {  	p0 =	seq.s32 s10, $0x1;
	s10 =	sld [smem:$0x3FB6];
	_ =	sdelay $0x3  }
0x34: {  	[smem:$0x3FB6] =	sst s10  }
0x35: {  	s10 =	sld [smem:$0x3FB5];
	_ =	sdelay $0x3  }
0x36: {  	p1 =	seq.s32 s10, $0x1;
	s10 =	sld [smem:$0x3FB6];
	_ =	sdelay $0x3  }
0x37: {  	[smem:$0x3FB6] =	sst s10  }
0x38: {  	s10 =	sld [smem:$0x3FB7]  }
0x39: {  	_ = 	snop;
	(pc) =	sbr.ind lr, $3  }
0x3a: {  	_ = 	snop  }
0x3b: {  	_ = 	snop  }
0x3c: {  	p2 =	seq.s32 s10, $0x1;
	s10 =	sld [smem:$0x3FB6]  }
0x3d: {  	_ =	shalt  }
0x3e: {  	_ =	shalt  }
0x3f: {  	_ =	shalt  }
0x40: {  	_ =	shalt  }
0x41: {  	_ =	shalt  }
0x42: {  	_ =	shalt  }
0x43: {  	_ =	shalt  }
0x44: {  	_ =	shalt  }
0x45: {  	_ =	shalt  }
0x46: {  	_ =	shalt  }
0x47: {  	_ =	shalt  }
0x48: {  	_ =	shalt  }
0x49: {  	_ =	shalt  }
0x4a: {  	_ =	shalt  }
0x4b: {  	_ =	shalt  }
0x4c: {  	_ =	shalt  }
0x4d: {  	_ =	shalt  }
0x4e: {  	_ =	shalt  }
0x4f: {  	_ =	shalt  }
0x50: {  	_ =	shalt  }
0x51: {  	_ =	shalt  }
0x52: {  	_ =	shalt  }
0x53: {  	_ =	shalt  }
0x54: {  	_ =	shalt  }
0x55: {  	_ =	shalt  }
0x56: {  	_ =	shalt  }
0x57: {  	_ =	shalt  }
0x58: {  	_ =	shalt  }
0x59: {  	_ =	shalt  }
0x5a: {  	_ =	shalt  }
0x5b: {  	_ =	shalt  }
0x5c: {  	_ =	shalt  }
0x5d: {  	_ =	shalt  }
0x5e: {  	_ =	shalt  }
0x5f: {  	_ =	shalt  }
0x60: {  	_ =	shalt  }
0x61: {  	_ =	shalt  }
0x62: {  	_ =	shalt  }
0x63: {  	_ =	shalt  }
0x64: {  	_ =	shalt  }
0x65: {  	_ =	shalt  }
0x66: {  	_ =	shalt  }
0x67: {  	_ =	shalt  }
0x68: {  	_ =	shalt  }
0x69: {  	_ =	shalt  }
0x6a: {  	_ =	shalt  }
0x6b: {  	_ =	shalt  }
0x6c: {  	_ =	shalt  }
0x6d: {  	_ =	shalt  }
0x6e: {  	_ =	shalt  }
0x6f: {  	_ =	shalt  }
0x70: {  	_ =	shalt  }
0x71: {  	_ =	shalt  }
0x72: {  	_ =	shalt  }
0x73: {  	_ =	shalt  }
0x74: {  	_ =	shalt  }
0x75: {  	_ =	shalt  }
0x76: {  	_ =	shalt  }
0x77: {  	_ =	shalt  }
0x78: {  	_ =	shalt  }
0x79: {  	_ =	shalt  }
0x7a: {  	_ =	shalt  }
0x7b: {  	_ =	shalt  }
0x7c: {  	_ =	shalt  }
0x7d: {  	_ =	shalt  }
0x7e: {  	_ =	shalt  }
0x7f: {  	_ =	shalt  }
0x80: {  	_ =	shalt  }
0x81: {  	_ =	shalt  }
0x82: {  	_ =	shalt  }
0x83: {  	_ =	shalt  }
0x84: {  	_ =	shalt  }
0x85: {  	_ =	shalt  }
0x86: {  	_ =	shalt  }
0x87: {  	_ =	shalt  }
.Lfunc_end0:
.L_simem_size_0:
called_computation_lowered:
.L_overlay_start_0:
0x88: {  	s2 =	sld [smem:$0x3FD9]  }
0x89: {  	s3 =	sld [smem:$0x3FFE];
	_ =	sdelay $0x1  }
0x8a: {  	s1 =	srdreg.scid  }
0x8b: {  	s0 =	sand.u32 $0x1, s1  }
0x8c: {  	s17 =	sshll.u32 s0, $0xA;
	s2 =	sadd.s32 s3, s2  }
0x8d: {  	s2 =	sadd.s32 s2, s17  }
0x8e: {  	[smem:$0x3FC2] =	sst s2  }
0x8f: {  	_ = 	snop  }
0x90: {  	s2 =	sld [smem:$0x3FC9]  }
0x91: {  	s18 =	sld [smem:$0x3FD0];
	(tm) =	ssettm $0x1  }
0x92: {  	s4 =	sld [smem:$0x3FFB];
	_ =	sdelay $0x3  }
0x93: {  	_ =	strace s4  }
0x94: {  	s4 =	sld [smem:$0x3FFC];
	_ =	sdelay $0x3  }
0x95: {  	_ =	strace s4  }
0x96: {  	s4 =	sld [smem:$0x3FFD];
	_ =	sdelay $0x3  }
0x97: {  	_ =	strace s4  }
0x98: {  	_ =	strace $0x8FFFFFFF  }
0x99: {  	s19 =	sld [smem:$0x3FDB];
	_ =	sdelay $0x1  }
0x9a: {  	s5 =	simm.s32 $_scs_section_size  }
0x9b: {  	s6 =	simm.s32 $_size__tile_overlayer_lowered;
	s7 =	simm.s32 $_tile_overlayer_lowered  }
0x9c: {  	s22 =	simm.s32 $0x1BFF;
	s21 =	sshll.u32 s7, $0x1;
	s4 =	sadd.s32 s5, s19  }
0x9d: {  	s8 =	simm.s32 $0x0;
	s20 =	sshll.u32 s6, $0x1;
	s6 =	sadd.s32 s21, s4  }
0x9e: {  	[timem:s8], [sflag:s22] =	dma.local [hbm:s6], s20  }
0x9f: {  	_ =	swait.ge [sflag:s22], s20  }
0xa0: {  	s5 =	ssub.s32 $0x0, s20;
	[sflag:s22] =	ssyncset.done $0x0  }
0xa1: {  	[sflag:s22] =	ssyncadd.s32 s5;
	_ =	sdelay $0x1  }
0xa2: {  	s23 =	simm.s32 $0x1B8B  }
0xa3: {  	_ =	swait.ge [sflag:s23], $0x1  }
0xa4: {  	[sflag:s23] =	ssyncset.done $0x0  }
0xa5: {  	s25 =	simm.s32 $0x1B8E;
	s24 =	sld [smem:$0x3FFE];
	[sflag:s23] =	ssyncadd.s32 $0xFFFFFFFF  }
0xa6: {  	s26 =	simm.s32 $execute0_lowered;
	[smem:$0x3FD2] =	sst s25  }
0xa7: {  	s6 =	sshll.u32 s26, $0x1;
	_ =	strace $0x80000046;
	[dreg:$0x1] =	wrdreg $0xFFFFFFFF  }
0xa8: {  	s28 =	simm.s32 $_size_execute0_lowered;
	s4 =	sadd.s32 s4, s6;
	[dreg:$0x0] =	wrdreg $0x0  }
0xa9: {  	s6 =	sshll.u32 s28, $0x1;
	[dreg:$0x2] =	wrdreg s4  }
0xaa: {  	[dreg:$0x3] =	wrdreg s6  }
0xab: {  	[dreg:$0x4] =	wrdreg $0xC0  }
0xac: {  	_ =	task [dreg:s8], $0x5FFFF  }
0xad: {  	[dreg:$0x1] =	wrdreg $0xFFFFFFFF  }
0xae: {  	[dreg:$0x0] =	wrdreg $0x60  }
0xaf: {  	[dreg:$0x2] =	wrdreg s2  }
0xb0: {  	[dreg:$0x3] =	wrdreg s24  }
0xb1: {  	[dreg:$0x4] =	wrdreg s18  }
0xb2: {  	[dreg:$0x5] =	wrdreg $0x150400  }
0xb3: {  	[dreg:$0x6] =	wrdreg $0x1F4D00  }
0xb4: {  	[dreg:$0x7] =	wrdreg $0x9  }
0xb5: {  	_ =	task.clear_ibuf [dreg:s8], $0x8FFFF;
	_ =	strace $0x90000046  }
0xb6: {  	s29 =	simm.s32 $0x9;
	_ =	strace $0x80000048  }
0xb7: {  	_ =	swait.ge [sflag:s29], $0x1  }
0xb8: {  	[sflag:s29] =	ssyncadd.s32 $0xFFFFFFFF  }
0xb9: {  	_ =	strace $0x90000048  }
0xba: {  	_ =	sfence  }
0xbb: {  	s30 =	sld [smem:$0x0];
	_ =	sdelay $0x2  }
0xbc: {  	s31 =	sshll.u32 s1, $0xD;
	s1 =	sshrl.u32 s1, $0x2  }
0xbd: {  	s3 =	sand.u32 $0x4000, s31;
	s1 =	sadd.s32 s1, s30  }
0xbe: {  	s0 =	sor.u32 s3, s0;
	s1 =	sshll.u32 s1, $0x11  }
0xbf: {  	s0 =	sor.u32 s1, s0  }
0xc0: {  	s0 =	sadd.s32 $0x8F2B, s0  }
0xc1: {  	[sflag:s0] =	ssyncadd.remote.s32 $0x1  }
0xc2: {  	_ =	sfence.sel $0xFFFF  }
0xc3: {  	[dreg:$0x0] =	wrdreg $0xFFFFFFFF;
	(pc) =	sbr.abs _section_cstart, $3  }
0xc4: {  	[dreg:$0x1] =	wrdreg $0xFFFFFFFF  }
0xc5: {  	_ =	task.clear_ibuf [dreg:s8], $0x2FFFF;
	_ =	strace $0x9FFFFFFF  }
0xc6: {  	(tm) =	ssettm $0x7FFFFFFF  }
0xc7: {  	_ =	shalt  }
tec
execute0_lowered:
.L_overlay_start_1:
0x0: {  	(tag) =	ssettag $0x1  }
0x1: {  	s0 =	rddreg [dreg:$0x0]  }
0x2: {  	s1 =	rddreg [dreg:$0x1]  }
0x3: {  	s5 =	rddreg [dreg:$0x2]  }
0x4: {  	s2 =	srdreg.scid;
	s3 =	rddreg [dreg:$0x3]  }
0x5: {  	s12 =	stileid.u32;
	s4 =	rddreg [dreg:$0x4]  }
0x6: {  	s8 =	simm.s32 $0x0;
	s28 =	simm.s32 $0xB;
	s29 =	simm.s32 $0xC  }
0x7: {  	s30 =	simm.s32 $0x7D;
	s31 =	simm.s32 $0xA000;
	s6 =	smul.u32 $0x5000, s12  }
0x8: {  	s2 =	sand.u32 $0x1, s2;
	[smem:$0x7FF] =	sst s8;
	s11 =	smul.u32 $0x14000, s12  }
0x9: {  	s15 =	smul.u32 $0x28000, s12;
	p0 =	seq.s32 s12, $0xF;
	s23 =	sadd.s32 $0x7D0, s4  }
0xa: {  	s24 =	sadd.s32 $0xFA0, s4;
	p3 =	sne.s32 s12, $0xF;
	s7 =	smul.u32 $0x50000, s2  }
0xb: {  	p4 =	sne.s32 s12, $0x0;
	_ =	strace $0x80000047;
	s25 =	smul.u32 $0x4E2, s2  }
0xc: {  	s9 =	ssub.s32 $0x2, s2;
	s13 =	sshll.u32 s2, $0x6;
	[dreg:$0x13] =	wrdreg s23  }
0xd: {  	s17 =	sshll.u32 s2, $0x3;
	[dreg:$0x14] =	wrdreg s24;
	p2 =	seq.s32 s2, $0x0  }
0xe: {  	p1 =	sne.s32 @!p0 s12, $0x0;
	s2 =	simm.s32 $0xDE80;
	s10 =	sshrl.u32 s9, $0x1  }
0xf: {  	s14 =	sor.u32 s13, s11;
	s18 =	sshrl.u32 s15, $0x2;
	s15 =	simm.s32 $0xA  }
0x10: {  	s7 =	sadd.s32 s6, s7;
	s6 =	sshrl.u32 s6, $0x3;
	s26 =	ssub.s32 s9, s10  }
0x11: {  	s16 =	sshrl.u32 s14, $0x3;
	s9 =	sadd.s32 s18, s3;
	s10 =	sadd.s32 $0x96000, s3  }
0x12: {  	s7 =	sshrl.u32 s7, $0x3;
	s6 =	sadd.s32 s6, s1;
	s20 =	smax.u32 s26, $0x1  }
0x13: {  	s21 =	sadd.s32 $0x1400, s9;
	s22 =	sadd.s32 $0x2800, s9;
	[dreg:$0xb] =	wrdreg s10  }
0x14: {  	s8 =	sadd.s32 $0x3C00, s9;
	s11 =	sadd.s32 $0x5000, s9;
	[dreg:$0xc] =	wrdreg s20  }
0x15: {  	s13 =	sadd.s32 $0x6400, s9;
	s14 =	sadd.s32 $0x7800, s9;
	[dreg:$0xd] =	wrdreg s21  }
0x16: {  	s26 =	sadd.s32 $0x1F40, s4;
	s7 =	sadd.s32 s7, s1;
	[dreg:$0xe] =	wrdreg s22  }
0x17: {  	s1 =	sadd.s32 s25, s1;
	s6 =	sadd.s32 $0x16000, s6;
	[dreg:$0x16] =	wrdreg s26  }
0x18: {  	s20 =	sadd.s32 $0x8C00, s9;
	s25 =	sadd.s32 $0x1770, s4;
	[dreg:$0x7] =	wrdreg s6  }
0x19: {  	s8 =	smov.u32 @p0 s10;
	s26 =	simm.s32 $0x13C40;
	[dreg:$0x15] =	wrdreg s25  }
0x1a: {  	s10 =	simm.s32 $0x6;
	s7 =	sadd.s32 $0x2000, s7;
	[dreg:$0xf] =	wrdreg s8  }
0x1b: {  	s21 =	simm.s32 $0x0;
	s6 =	sadd.s32 s5, s16;
	[dreg:$0x6] =	wrdreg s7  }
0x1c: {  	s5 =	sadd.s32 s17, s5;
	s1 =	sadd.s32 $0x20000, s1;
	[dreg:$0x8] =	wrdreg s6  }
0x1d: {  	s25 =	simm.s32 $0xBF40;
	s8 =	simm.s32 $0x5;
	[dreg:$0x9] =	wrdreg s1  }
0x1e: {  	s19 =	sadd.s32 $0x25800, s5;
	s1 =	sadd.s32 $0x97400, s3;
	s5 =	sadd.s32 $0x98800, s3  }
0x1f: {  	s6 =	sadd.s32 $0x99C00, s3;
	s7 =	sadd.s32 $0x9B000, s3;
	[dreg:$0xa] =	wrdreg s19  }
0x20: {  	s11 =	smov.u32 @p0 s1;
	s13 =	smov.u32 @p0 s5;
	s14 =	smov.u32 @p0 s6  }
0x21: {  	s20 =	smov.u32 @p0 s7;
	s1 =	simm.s32 @!p4 $0x0;
	[dreg:$0x10] =	wrdreg s11  }
0x22: {  	s5 =	simm.s32 $0x11D00;
	s6 =	simm.s32 $0x1;
	[dreg:$0x11] =	wrdreg s13  }
0x23: {  	s7 =	simm.s32 $0x3;
	[dreg:$0x12] =	wrdreg s14;
	s1 =	simm.s32 @p4 $0x1  }
0x24: {  	p4 =	por p1, p0;
	p1 =	sne.s32 @p3 s12, $0x0;
	s11 =	simm.s32 $0x7  }
0x25: {  	s13 =	simm.s32 $0x8;
	s14 =	simm.s32 $0x9;
	s12 =	simm.s32 $0xD  }
0x26: {  	v0 =	vimm.f32 $0.0e+00;
	v1 =	vimm.f32 $1.000000000e+00;
	[smem:$0x7FD] =	sst s1;
	p5 =	por p1, !p3;
	s1 =	simm.s32 $0xFDC0  }
.LBB2_1:
0x27: {  	s17 =	rddreg [dreg:$0x6]  }
0x28: {  	s16 =	simm.s32 $0x0;
	s24 =	rddreg [dreg:$0x7]  }
0x29: {  	[tilespmem:s16], [sflag:$0xB] =	stream.linear.gather [hbm4b:s17+s16], $0x5000, $0x38;
	[tilespmem:$0x1F748] =	vst v63  }
0x2a: {  	s18 =	simm.s32 $0x5000;
	s23 =	simm.s32 $0x100;
	s22 =	simm.s32 $0x0  }
0x2b: {  	[tilespmem:s18], [sflag:$0xB] =	stream.linear.gather [hbm4b:s24+s16], $0x5000, $0x38;
	[tilespmem:$0x1F748] =	vst v63  }
.LBB2_2:
0x2c: {  	p1 =	sne.s32 s23, $0x4F00;
	[tilespmem:s22+$0x13C70] =	vst v0;
	s24 =	smov.u32 s23;
	s23 =	sadd.s32 $0x100, s23  }
.Ltmp0:
0x2d: {  	[tilespmem:s22+$0x13C60] =	vst v0;
	(pc) =	sbr.rel @p1 .LBB2_2-.Ltmp0, $3  }
0x2e: {  	[tilespmem:s22+$0x13C40] =	vst v0  }
0x2f: {  	[tilespmem:s22+$0x13C50] =	vst v0;
	_ =	sdelay $0x1  }
0x30: {  	s22 =	sshra.s32 s24, $0x2  }
0x31: {  	[tilespmem:s22+$0x13C70] =	vst v0  }
0x32: {  	[tilespmem:s22+$0x13C60] =	vst v0  }
0x33: {  	[tilespmem:s22+$0x13C40] =	vst v0  }
0x34: {  	[tilespmem:s22+$0x13C50] =	vst v0;
	s22 =	simm.s32 @!p0 $0x13C40  }
0x35: {  	[spmem:s9] =	stream.linear.scatter @!p0 [tilespmem:s22], [sflag:$0xC], $0x1400, $0x38;
	[tilespmem:$0x1F748] =	vst v63  }
0x36: {  	s16 =	rddreg [dreg:$0xd]  }
0x37: {  	[spmem:s16] =	stream.linear.scatter @!p0 [tilespmem:s22], [sflag:$0xC], $0x1400, $0x38;
	[tilespmem:$0x1F748] =	vst v63  }
0x38: {  	s16 =	rddreg [dreg:$0xe]  }
0x39: {  	[spmem:s16] =	stream.linear.scatter @!p0 [tilespmem:s22], [sflag:$0xC], $0x1400, $0x38;
	[tilespmem:$0x1F748] =	vst v63  }
0x3a: {  	s19 =	rddreg [dreg:$0xf]  }
0x3b: {  	[spmem:s19] =	stream.linear.scatter [tilespmem:s26], [sflag:$0xC], $0x1400, $0x38;
	[tilespmem:$0x1F748] =	vst v63  }
0x3c: {  	s22 =	rddreg [dreg:$0x10]  }
0x3d: {  	[spmem:s22] =	stream.linear.scatter [tilespmem:s26], [sflag:$0xC], $0x1400, $0x38;
	[tilespmem:$0x1F748] =	vst v63  }
0x3e: {  	s23 =	rddreg [dreg:$0x11]  }
0x3f: {  	[spmem:s23] =	stream.linear.scatter [tilespmem:s26], [sflag:$0xC], $0x1400, $0x38;
	[tilespmem:$0x1F748] =	vst v63  }
0x40: {  	s24 =	rddreg [dreg:$0x12]  }
0x41: {  	[spmem:s24] =	stream.linear.scatter [tilespmem:s26], [sflag:$0xC], $0x1400, $0x38;
	[tilespmem:$0x1F748] =	vst v63  }
0x42: {  	s22 =	simm.s32 $0x40;
	s23 =	simm.s32 $0x0  }
0x43: {  	[spmem:s20] =	stream.linear.scatter [tilespmem:s26], [sflag:$0xC], $0x1400, $0x38;
	[tilespmem:$0x1F748] =	vst v63  }
.LBB2_4:
0x44: {  	p1 =	sne.s32 s22, $0x1F00;
	[tilespmem:s23+$0x1EC80] =	vst v0;
	s23 =	smov.u32 s22;
	s22 =	sadd.s32 $0x40, s22  }
.Ltmp1:
0x45: {  	(pc) =	sbr.rel @p1 .LBB2_4-.Ltmp1, $2  }
0x46: {  	_ =	sdelay $0x2  }
0x47: {  	s23 =	sshra.s32 s23, $0x2  }
0x48: {  	[tilespmem:s23+$0x1EC80] =	vst v0  }
0x49: {  	[tilespmem:$0x1F450] =	vst v1  }
0x4a: {  	[tilespmem:$0x1F460] =	vst v1  }
0x4b: {  	[tilespmem:$0x1F470] =	vst v1  }
0x4c: {  	s16 =	sld [smem:$0x7FD];
	[tilespmem:$0x1F480] =	vst v1  }
0x4d: {  	[tilespmem:$0x1F490] =	vst v1  }
0x4e: {  	[tilespmem:$0x1F4A0] =	vst v1  }
0x4f: {  	[tilespmem:$0x1F4B0] =	vst v1;
	p1 =	seq.s32 s16, $0x1  }
0x50: {  	[tilespmem:$0x1F4C0] =	vst v1;
	s22 =	simm.s32 @!p1 $0x1EC80  }
0x51: {  	[spmem:s4] =	stream.linear.scatter @!p1 [tilespmem:s22], [sflag:$0xC], $0x7D0, $0x38;
	[tilespmem:$0x1F748] =	vst v63  }
0x52: {  	s16 =	rddreg [dreg:$0x13]  }
0x53: {  	[spmem:s16] =	stream.linear.scatter @!p1 [tilespmem:s22], [sflag:$0xC], $0x7D0, $0x38;
	[tilespmem:$0x1F748] =	vst v63  }
0x54: {  	s16 =	rddreg [dreg:$0x14]  }
0x55: {  	[spmem:s16] =	stream.linear.scatter @!p1 [tilespmem:s22], [sflag:$0xC], $0x7D0, $0x38;
	[tilespmem:$0x1F748] =	vst v63  }
0x56: {  	s16 =	rddreg [dreg:$0x15]  }
0x57: {  	[spmem:s16] =	stream.linear.scatter @!p1 [tilespmem:s22], [sflag:$0xC], $0x7D0, $0x38;
	[tilespmem:$0x1F748] =	vst v63  }
0x58: {  	s16 =	rddreg [dreg:$0x16]  }
0x59: {  	[spmem:s16] =	stream.linear.scatter @!p1 [tilespmem:s22], [sflag:$0xC], $0x7D0, $0x38;
	[tilespmem:$0x1F748] =	vst v63  }
0x5a: {  	_ =	swait.ge [sflag:s28], $0x5000  }
0x5b: {  	[sflag:s28] =	ssyncset.done $0x0  }
0x5c: {  	[sflag:s28] =	ssyncadd.s32 $0xFFFFB000  }
0x5d: {  	_ =	swait.ge [sflag:s28], $0x5000  }
0x5e: {  	[sflag:s28] =	ssyncset.done $0x0  }
0x5f: {  	[sflag:s28] =	ssyncadd.s32 $0xFFFFB000  }
0x60: {  	_ =	swait.ge [sflag:s29], $0x1400  }
0x61: {  	[sflag:s29] =	ssyncset.done $0x0  }
0x62: {  	[sflag:s29] =	ssyncadd.s32 $0xFFFFEC00  }
0x63: {  	_ =	swait.ge [sflag:s29], $0x1400  }
0x64: {  	[sflag:s29] =	ssyncset.done $0x0  }
0x65: {  	[sflag:s29] =	ssyncadd.s32 $0xFFFFEC00  }
0x66: {  	_ =	swait.ge [sflag:s29], $0x1400  }
0x67: {  	[sflag:s29] =	ssyncset.done $0x0  }
0x68: {  	[sflag:s29] =	ssyncadd.s32 $0xFFFFEC00  }
0x69: {  	_ =	swait.ge [sflag:s29], $0x1400  }
0x6a: {  	[sflag:s29] =	ssyncset.done $0x0  }
0x6b: {  	[sflag:s29] =	ssyncadd.s32 $0xFFFFEC00  }
0x6c: {  	_ =	swait.ge [sflag:s29], $0x1400  }
0x6d: {  	[sflag:s29] =	ssyncset.done $0x0  }
0x6e: {  	s22 =	simm.s32 @!p0 $0xC;
	[sflag:s29] =	ssyncadd.s32 $0xFFFFEC00  }
0x6f: {  	_ =	swait.ge @!p0 [sflag:s22], $0x1400  }
0x70: {  	[sflag:s22] =	ssyncset.done @!p0 $0x0  }
0x71: {  	[sflag:s22] =	ssyncadd.s32 @!p0 $0xFFFFEC00  }
0x72: {  	_ =	swait.ge @!p0 [sflag:s22], $0x1400  }
0x73: {  	[sflag:s22] =	ssyncset.done @!p0 $0x0  }
0x74: {  	[sflag:s22] =	ssyncadd.s32 @!p0 $0xFFFFEC00  }
0x75: {  	_ =	swait.ge @!p0 [sflag:s22], $0x1400  }
0x76: {  	[sflag:s22] =	ssyncset.done @!p0 $0x0  }
0x77: {  	[sflag:s22] =	ssyncadd.s32 @!p0 $0xFFFFEC00;
	s22 =	simm.s32 @!p4 $0xC  }
0x78: {  	_ =	swait.ge @!p4 [sflag:s22], $0x7D0  }
0x79: {  	[sflag:s22] =	ssyncset.done @!p4 $0x0  }
0x7a: {  	[sflag:s22] =	ssyncadd.s32 @!p4 $0xFFFFF830  }
0x7b: {  	_ =	swait.ge @!p4 [sflag:s22], $0x7D0  }
0x7c: {  	[sflag:s22] =	ssyncset.done @!p4 $0x0  }
0x7d: {  	[sflag:s22] =	ssyncadd.s32 @!p4 $0xFFFFF830  }
0x7e: {  	_ =	swait.ge @!p4 [sflag:s22], $0x7D0  }
0x7f: {  	[sflag:s22] =	ssyncset.done @!p4 $0x0  }
0x80: {  	[sflag:s22] =	ssyncadd.s32 @!p4 $0xFFFFF830  }
0x81: {  	_ =	swait.ge @!p4 [sflag:s22], $0x7D0  }
0x82: {  	[sflag:s22] =	ssyncset.done @!p4 $0x0  }
0x83: {  	[sflag:s22] =	ssyncadd.s32 @!p4 $0xFFFFF830  }
0x84: {  	_ =	swait.ge @!p4 [sflag:s22], $0x7D0  }
0x85: {  	[sflag:s22] =	ssyncset.done @!p4 $0x0  }
0x86: {  	[sflag:s22] =	ssyncadd.s32 @!p4 $0xFFFFF830  }
0x87: {  	s22 =	simm.s32 $0x0;
	[bflag:$0x0] =	sbarrier.arrive $0xFFFF  }
0x88: {  	[tilespmem:s31], [sflag:$0x1] =	stream.indirect.gather [hbm4b:s0+s30], $0x40, s22, s30, $0xb8;
	[tilespmem:$0x1F748] =	vst v63  }
0x89: {  	s18 =	simm.s32 $0x80  }
0x8a: {  	[tilespmem:s25], [sflag:$0x2] =	stream.indirect.gather [hbm4b:s0+s30], $0x40, s18, s30, $0xb8;
	[tilespmem:$0x1F748] =	vst v63  }
0x8b: {  	s19 =	simm.s32 $0x100  }
0x8c: {  	[tilespmem:s2], [sflag:$0x3] =	stream.indirect.gather [hbm4b:s0+s30], $0x40, s19, s30, $0xb8;
	[tilespmem:$0x1F748] =	vst v63  }
0x8d: {  	s23 =	simm.s32 $0x180  }
0x8e: {  	[tilespmem:s1], [sflag:$0x4] =	stream.indirect.gather [hbm4b:s0+s30], $0x40, s23, s30, $0xb8;
	[tilespmem:$0x1F748] =	vst v63  }
0x8f: {  	s24 =	simm.s32 $0x200;
	s23 =	simm.s32 $0x0  }
0x90: {  	[tilespmem:s5], [sflag:$0x5] =	stream.indirect.gather [hbm4b:s0+s30], $0x40, s24, s30, $0xb8;
	[tilespmem:$0x1F748] =	vst v63  }
.LBB2_6:
0x91: {  	_ =	swait.ge [sflag:s6], $0x1F40;
	s24 =	sshra.s32 s22, $0x2  }
0x92: {  	p1 =	sgt.u32 s23, $0xF;
	s17 =	simm.s32 $0x1;
	s18 =	simm.s32 $0x1  }
0x93: {  	[sflag:s6] =	ssyncset.done $0x0;
	s17 =	simm.s32 @!p1 $0x0;
	s18 =	simm.s32 @!p2 $0x0  }
0x94: {  	s16 =	sadd.s32 $0x5000, s24;
	[sflag:s6] =	ssyncadd.s32 $0xFFFFE0C0;
	p6 =	seq.s32 s18, s17  }
0x95: {  	[spmem:s3] =	stream.indirect.scatter.add.f32 [tilespmem:s31], [sflag:$0x6], $0x40, s16, s30, $0xb8;
	[tilespmem:$0x1F748] =	vst v63  }
0x96: {  	s17 =	simm.s32 @p6 $0x2  }
0x97: {  	_ =	swait.ge @p6 [sflag:s17], $0x1F40  }
0x98: {  	[sflag:s17] =	ssyncset.done @p6 $0x0  }
0x99: {  	[sflag:s17] =	ssyncadd.s32 @p6 $0xFFFFE0C0;
	s17 =	sshra.s32 @p6 s22, $0x2  }
0x9a: {  	s18 =	simm.s32 @p6 $0x7D;
	s19 =	simm.s32 @p6 $0xBF40;
	s17 =	sadd.s32 @p6 $0x5080, s17  }
0x9b: {  	[spmem:s3] =	stream.indirect.scatter.add.f32 @p6 [tilespmem:s19], [sflag:$0x7], $0x40, s17, s18, $0xb8;
	[tilespmem:$0x1F748] =	vst v63  }
0x9c: {  	s17 =	simm.s32 @!p6 $0x7D;
	s18 =	simm.s32 @!p6 $0x1F450  }
0x9d: {  	[spmem:s4] =	stream.indirect.scatter.add.f32 @!p6 [tilespmem:s18], [sflag:$0xD], $0x1, s16, s17, $0xb8;
	[tilespmem:$0x1F748] =	vst v63  }
0x9e: {  	s16 =	simm.s32 @!p6 $0x2  }
0x9f: {  	_ =	swait.ge @!p6 [sflag:s16], $0x1F40  }
0xa0: {  	s19 =	sshra.s32 @!p6 s22, $0x2;
	[sflag:s16] =	ssyncset.done @!p6 $0x0  }
0xa1: {  	[sflag:s16] =	ssyncadd.s32 @!p6 $0xFFFFE0C0;
	s16 =	sadd.s32 @!p6 $0x5080, s19;
	s19 =	simm.s32 @!p6 $0xBF40  }
0xa2: {  	[spmem:s3] =	stream.indirect.scatter.add.f32 @!p6 [tilespmem:s19], [sflag:$0x7], $0x40, s16, s17, $0xb8;
	[tilespmem:$0x1F748] =	vst v63  }
0xa3: {  	_ = 	snop  }
0xa4: {  	[spmem:s4] =	stream.indirect.scatter.add.f32 @!p6 [tilespmem:s18], [sflag:$0xD], $0x1, s16, s17, $0xb8;
	[tilespmem:$0x1F748] =	vst v63  }
0xa5: {  	p6 =	por !p1, !p1;
	_ =	swait.ge [sflag:s7], $0x1F40  }
0xa6: {  	p6 =	por @!p2 p1, p1;
	[sflag:s7] =	ssyncset.done $0x0  }
0xa7: {  	s16 =	sadd.s32 $0x5100, s24;
	s17 =	simm.s32 @!p6 $0x4;
	[sflag:s7] =	ssyncadd.s32 $0xFFFFE0C0  }
0xa8: {  	[spmem:s3] =	stream.indirect.scatter.add.f32 [tilespmem:s2], [sflag:$0x8], $0x40, s16, s30, $0xb8;
	[tilespmem:$0x1F748] =	vst v63  }
0xa9: {  	_ =	swait.ge @!p6 [sflag:s17], $0x1F40  }
0xaa: {  	[sflag:s17] =	ssyncset.done @!p6 $0x0  }
0xab: {  	[sflag:s17] =	ssyncadd.s32 @!p6 $0xFFFFE0C0;
	s17 =	sshra.s32 @!p6 s22, $0x2  }
0xac: {  	s18 =	simm.s32 @!p6 $0x7D;
	s19 =	simm.s32 @!p6 $0xFDC0;
	s17 =	sadd.s32 @!p6 $0x5180, s17  }
0xad: {  	[spmem:s3] =	stream.indirect.scatter.add.f32 @!p6 [tilespmem:s19], [sflag:$0x9], $0x40, s17, s18, $0xb8;
	[tilespmem:$0x1F748] =	vst v63  }
0xae: {  	s17 =	simm.s32 @p6 $0x7D;
	s18 =	simm.s32 @p6 $0x1F450  }
0xaf: {  	[spmem:s4] =	stream.indirect.scatter.add.f32 @p6 [tilespmem:s18], [sflag:$0xD], $0x1, s16, s17, $0xb8;
	[tilespmem:$0x1F748] =	vst v63  }
0xb0: {  	s16 =	simm.s32 @p6 $0x4  }
0xb1: {  	_ =	swait.ge @p6 [sflag:s16], $0x1F40  }
0xb2: {  	s19 =	sshra.s32 @p6 s22, $0x2;
	[sflag:s16] =	ssyncset.done @p6 $0x0  }
0xb3: {  	[sflag:s16] =	ssyncadd.s32 @p6 $0xFFFFE0C0;
	s16 =	sadd.s32 @p6 $0x5180, s19;
	s19 =	simm.s32 @p6 $0xFDC0  }
0xb4: {  	[spmem:s3] =	stream.indirect.scatter.add.f32 @p6 [tilespmem:s19], [sflag:$0x9], $0x40, s16, s17, $0xb8;
	[tilespmem:$0x1F748] =	vst v63  }
0xb5: {  	_ = 	snop  }
0xb6: {  	[spmem:s4] =	stream.indirect.scatter.add.f32 @p6 [tilespmem:s18], [sflag:$0xD], $0x1, s16, s17, $0xb8;
	[tilespmem:$0x1F748] =	vst v63  }
0xb7: {  	_ =	swait.ge [sflag:s8], $0x1F40  }
0xb8: {  	[sflag:s8] =	ssyncset.done $0x0  }
0xb9: {  	p1 =	seq.s32 s22, $0x13600;
	s16 =	sadd.s32 $0x5200, s24;
	[sflag:s8] =	ssyncadd.s32 $0xFFFFE0C0  }
0xba: {  	[spmem:s3] =	stream.indirect.scatter.add.f32 [tilespmem:s5], [sflag:$0xA], $0x40, s16, s30, $0xb8;
	[tilespmem:$0x1F748] =	vst v63  }
.Ltmp2:
0xbb: {  	_ = 	snop;
	(pc) =	sbr.rel @p1 .LBB2_8-.Ltmp2, $4  }
0xbc: {  	[spmem:s4] =	stream.indirect.scatter.add.f32 @p6 [tilespmem:s18], [sflag:$0xD], $0x1, s16, s17, $0xb8;
	[tilespmem:$0x1F748] =	vst v63  }
0xbd: {  	_ =	swait.ge [sflag:s10], $0x1F40  }
0xbe: {  	[sflag:s10] =	ssyncset.done $0x0  }
0xbf: {  	[sflag:s10] =	ssyncadd.s32 $0xFFFFE0C0  }
0xc0: {  	s16 =	sadd.s32 $0x280, s24  }
0xc1: {  	[tilespmem:s31], [sflag:$0x1] =	stream.indirect.gather [hbm4b:s0+s30], $0x40, s16, s30, $0xb8;
	[tilespmem:$0x1F748] =	vst v63  }
0xc2: {  	_ =	swait.ge [sflag:s11], $0x1F40  }
0xc3: {  	[sflag:s11] =	ssyncset.done $0x0  }
0xc4: {  	s17 =	sadd.s32 $0x300, s24;
	[sflag:s11] =	ssyncadd.s32 $0xFFFFE0C0  }
0xc5: {  	[tilespmem:s25], [sflag:$0x2] =	stream.indirect.gather [hbm4b:s0+s30], $0x40, s17, s30, $0xb8;
	[tilespmem:$0x1F748] =	vst v63  }
0xc6: {  	_ =	swait.ge [sflag:s13], $0x1F40  }
0xc7: {  	[sflag:s13] =	ssyncset.done $0x0  }
0xc8: {  	s18 =	sadd.s32 $0x380, s24;
	[sflag:s13] =	ssyncadd.s32 $0xFFFFE0C0  }
0xc9: {  	[tilespmem:s2], [sflag:$0x3] =	stream.indirect.gather [hbm4b:s0+s30], $0x40, s18, s30, $0xb8;
	[tilespmem:$0x1F748] =	vst v63  }
0xca: {  	_ =	swait.ge [sflag:s14], $0x1F40  }
0xcb: {  	[sflag:s14] =	ssyncset.done $0x0  }
0xcc: {  	s19 =	sadd.s32 $0x400, s24;
	[sflag:s14] =	ssyncadd.s32 $0xFFFFE0C0  }
0xcd: {  	[tilespmem:s1], [sflag:$0x4] =	stream.indirect.gather [hbm4b:s0+s30], $0x40, s19, s30, $0xb8;
	[tilespmem:$0x1F748] =	vst v63  }
.Ltmp3:
0xce: {  	_ = 	snop;
	(pc) =	sbr.rel .LBB2_6-.Ltmp3, $4  }
0xcf: {  	_ =	swait.ge [sflag:s15], $0x1F40  }
0xd0: {  	s24 =	sadd.s32 $0x480, s24;
	[sflag:s15] =	ssyncset.done $0x0  }
0xd1: {  	s23 =	sadd.s32 $0x1, s23;
	s22 =	sadd.s32 $0xA00, s22;
	[sflag:s15] =	ssyncadd.s32 $0xFFFFE0C0  }
0xd2: {  	[tilespmem:s5], [sflag:$0x5] =	stream.indirect.gather [hbm4b:s0+s30], $0x40, s24, s30, $0xb8;
	[tilespmem:$0x1F748] =	vst v63  }
.LBB2_8:
0xd3: {  	_ =	swait.ge [sflag:s11], $0x1F40  }
0xd4: {  	[sflag:s11] =	ssyncset.done $0x0  }
0xd5: {  	[sflag:s11] =	ssyncadd.s32 $0xFFFFE0C0  }
0xd6: {  	_ =	swait.ge [sflag:s13], $0x1F40  }
0xd7: {  	[sflag:s13] =	ssyncset.done $0x0  }
0xd8: {  	[sflag:s13] =	ssyncadd.s32 $0xFFFFE0C0  }
0xd9: {  	_ =	swait.ge [sflag:s14], $0x1F40  }
0xda: {  	[sflag:s14] =	ssyncset.done $0x0  }
0xdb: {  	[sflag:s14] =	ssyncadd.s32 $0xFFFFE0C0  }
0xdc: {  	_ =	swait.ge [sflag:s15], $0x1F40  }
0xdd: {  	[sflag:s15] =	ssyncset.done $0x0  }
0xde: {  	[sflag:s15] =	ssyncadd.s32 $0xFFFFE0C0  }
0xdf: {  	_ =	swait.ge [sflag:s12], $0x7D  }
0xe0: {  	s22 =	simm.s32 $0x4F;
	[sflag:s12] =	ssyncset.done $0x0  }
.LBB2_9:
0xe1: {  	p1 =	sne.s32 s22, $0x1;
	s22 =	sadd.s32 $0xFFFFFFFF, s22;
	[sflag:s12] =	ssyncadd.s32 $0xFFFFFF83  }
.Ltmp4:
0xe2: {  	(pc) =	sbr.rel @p1 .LBB2_9-.Ltmp4, $3  }
0xe3: {  	_ =	sdelay $0x1  }
0xe4: {  	_ =	swait.ge [sflag:s12], $0x7D  }
0xe5: {  	[sflag:s12] =	ssyncset.done $0x0  }
0xe6: {  	[sflag:s12] =	ssyncadd.s32 $0xFFFFFF83  }
0xe7: {  	s16 =	stileid.u32;
	s17 =	sshrl.u32 @p3 s9, $0x3;
	s18 =	simm.s32 @p3 $0x1  }
0xe8: {  	s19 =	simm.s32 @p3 $0x10;
	s16 =	sshll.u32 @p3 s16, $0x6;
	[bflag:$0x0] =	sbarrier.arrive $0xFFFF  }
0xe9: {  	s22 =	simm.s32 @p3 $0x8;
	s16 =	sor.u32 @p3 $0x1C0E, s16;
	s23 =	rddreg [dreg:$0x8]  }
0xea: {  	[hbm:s23@s19], [sflag:s16] =	dma.strided @p3 [spmem:s17@s22], $0x1400, s18, $0x8   }
0xeb: {  	s16 =	simm.s32 @p3 $0xE  }
0xec: {  	_ =	swait.ge @p3 [sflag:s16], $0x1400  }
0xed: {  	s17 =	simm.s32 @!p5 $0x1C0E;
	[sflag:s16] =	ssyncset.done @p3 $0x0  }
0xee: {  	s18 =	rddreg [dreg:$0x9];
	[sflag:s16] =	ssyncadd.s32 @p3 $0xFFFFEC00;
	s16 =	sshrl.u32 @!p5 s4, $0x3  }
0xef: {  	[hbm:s18], [sflag:s17] =	dma.local @!p5 [spmem:s16], $0x4E2  }
0xf0: {  	s16 =	simm.s32 @!p5 $0xE  }
0xf1: {  	_ =	swait.ge @!p5 [sflag:s16], $0x4E2  }
0xf2: {  	s19 =	simm.s32 @!p3 $0x8;
	s22 =	simm.s32 @!p3 $0x1FCE;
	[sflag:s16] =	ssyncset.done @!p5 $0x0  }
0xf3: {  	s17 =	simm.s32 @!p3 $0x1;
	[sflag:s16] =	ssyncadd.s32 @!p5 $0xFFFFFB1E;
	s16 =	rddreg [dreg:$0xb]  }
0xf4: {  	s18 =	simm.s32 @!p3 $0x10;
	s23 =	rddreg [dreg:$0xa];
	s16 =	sshrl.u32 @!p3 s16, $0x3  }
0xf5: {  	[hbm:s23@s18], [sflag:s22] =	dma.strided @!p3 [spmem:s16@s19], $0xC80, s17, $0x8   }
0xf6: {  	s16 =	simm.s32 @!p3 $0xE  }
0xf7: {  	_ =	swait.ge @!p3 [sflag:s16], $0xC80  }
0xf8: {  	s21 =	sadd.s32 $0x1, s21;
	s24 =	rddreg [dreg:$0xc]  }
0xf9: {  	p1 =	sne.s32 s21, s24  }
.Ltmp5:
0xfa: {  	_ = 	snop;
	(pc) =	sbr.rel @p1 .LBB2_1-.Ltmp5, $3  }
0xfb: {  	_ =	sdelay $0x1  }
0xfc: {  	[sflag:s16] =	ssyncset.done @!p3 $0x0  }
0xfd: {  	[sflag:s16] =	ssyncadd.s32 @!p3 $0xFFFFF380  }
0xfe: {  	_ =	sfence.sel $0x180000  }
0xff: {  	[bflag:$0x0] =	sbarrier.arrive $0xFFFF  }
0x100: {  	_ =	strace $0x90000047  }
0x101: {  	[bflag:$0x2] =	sbarrier.arrive $0xFFFF  }
0x102: {  	s1 =	sld [smem:$0x7FD];
	_ =	sdelay $0x2  }
0x103: {  	s0 =	rddreg [dreg:$0x5];
	p0 =	seq.s32 s1, $0x1  }
0x104: {  	s0 =	sadd.s32 @!p0 $0x100000, s0  }
0x105: {  	[sflag:s0] =	ssyncadd.tile.s32 @!p0 $0x1;
	_ =	shalt  }
.Lfunc_end2:
_tile_overlayer_lowered:
.L_overlay_start_2:
0x106: {  	(tag) =	ssettag $0x2  }
0x107: {  	s0 =	rddreg [dreg:$0x0];
	s2 =	stileid.u32  }
0x108: {  	s1 =	rddreg [dreg:$0x1];
	p0 =	sne.s32 s2, $0x0  }
0x109: {  	s3 =	rddreg [dreg:$0x2];
	[bflag:$0x3] =	sbarrier.arrive $0xFFFF;
	s2 =	simm.s32 @!p0 $0x1C0E  }
0x10a: {  	[timem:s3], [sflag:s2] =	dma.local @!p0 [hbm:s0], s1  }
0x10b: {  	s0 =	simm.s32 @!p0 $0xE  }
0x10c: {  	_ =	swait.ge @!p0 [sflag:s0], s1  }
0x10d: {  	s1 =	ssub.s32 @!p0 $0x0, s1;
	[sflag:s0] =	ssyncset.done @!p0 $0x0  }
0x10e: {  	[sflag:s0] =	ssyncadd.s32 @!p0 s1  }
0x10f: {  	[bflag:$0x3] =	sbarrier.arrive $0xFFFF  }
0x110: {  	_ =	shalt  }

</sc_bundles>
